<compile_context>
chip_gen: v7x
topology: tpu7x:2x2x1
jax: 0.10.2.dev20260603
libtpu: 0.0.44.dev20260713+nightly
codegen_flags: <defaults>
</compile_context>

<pallas_src>
import functools

import jax
import jax.numpy as jnp
from jax import lax
from jax.experimental import pallas as pl
from jax.experimental.pallas import tpu as pltpu
from jax.experimental.pallas import tpu_sc as plsc

DIM = 64
NUM_CORES = 2
NUM_SUBCORES = 16
NW = NUM_CORES * NUM_SUBCORES


def _sc_gather(emb_real, emb_imag, idx3, B, L):
    bpw = B // NW
    mesh = plsc.VectorSubcoreMesh(core_axis_name="c", subcore_axis_name="s")

    @functools.partial(
        pl.kernel,
        mesh=mesh,
        out_type=jax.ShapeDtypeStruct((B, L, 2 * DIM), jnp.float32),
        scratch_types=(
            pltpu.VMEM((bpw, L), jnp.int32),
            pltpu.VMEM((2, L, DIM), jnp.float32),
            pltpu.VMEM((2, L, DIM), jnp.float32),
            pltpu.SemaphoreType.DMA,
            pltpu.SemaphoreType.DMA,
            pltpu.SemaphoreType.DMA,
            pltpu.SemaphoreType.DMA,
        ),
        compiler_params=pltpu.CompilerParams(use_tc_tiling_on_sc=False),
    )
    def gather_kernel(er_hbm, ei_hbm, idx_hbm, ec_out,
                      idx_v, er_v, ei_v, sem_r0, sem_r1, sem_i0, sem_i1):
        wid = lax.axis_index("s") * NUM_CORES + lax.axis_index("c")
        b0 = wid * bpw
        pltpu.sync_copy(idx_hbm.at[wid], idx_v)

        def descriptors(g, slot, sem_r, sem_i):
            cp_r = pltpu.make_async_copy(
                er_hbm.at[idx_v.at[g]], er_v.at[slot], sem_r)
            cp_i = pltpu.make_async_copy(
                ei_hbm.at[idx_v.at[g]], ei_v.at[slot], sem_i)
            return cp_r, cp_i

        def gathers(g, slot, sem_r, sem_i):
            cp_r, cp_i = descriptors(g, slot, sem_r, sem_i)
            cp_r.start()
            cp_i.start()

        def stores(g, slot, sem_r, sem_i):
            cp_r, cp_i = descriptors(g, slot, sem_r, sem_i)
            cp_r.wait()
            cp_i.wait()
            pltpu.sync_copy(er_v.at[slot], ec_out.at[b0 + g, :, pl.ds(0, DIM)])
            pltpu.sync_copy(ei_v.at[slot], ec_out.at[b0 + g, :, pl.ds(DIM, DIM)])

        gathers(0, 0, sem_r0, sem_i0)

        def body(p, carry):
            g0 = 2 * p
            gathers(g0 + 1, 1, sem_r1, sem_i1)
            stores(g0, 0, sem_r0, sem_i0)

            @pl.when(g0 + 2 < bpw)
            def _():
                gathers(g0 + 2, 0, sem_r0, sem_i0)

            stores(g0 + 1, 1, sem_r1, sem_i1)
            return carry

        lax.fori_loop(0, bpw // 2, body, 0)

    return gather_kernel(emb_real, emb_imag, idx3)


_INV_PIO2 = 0.6366197723675814
_PIO2_HI = 1.5707963705062866
_PIO2_LO = -4.371139000186241e-08
_S3 = -1.6666654611e-01
_S5 = 8.3321608736e-03
_C2 = -4.9999997019e-01
_C4 = 4.1659855842e-02
_C6 = -1.3585052083e-03


def _sincos(a):
    n = jnp.round(a * _INV_PIO2)
    x = (a - n * _PIO2_HI) - n * _PIO2_LO
    x2 = x * x
    sp = x * (1.0 + x2 * (_S3 + x2 * _S5))
    cp = 1.0 + x2 * (_C2 + x2 * (_C4 + x2 * _C6))
    q = n.astype(jnp.int32)
    b0 = (q & 1) != 0
    b1 = (q & 2) != 0
    s_r = jnp.where(b0, cp, sp)
    c_r = jnp.where(b0, sp, cp)
    s = jnp.where(b1, -s_r, s_r)
    c = jnp.where(b0 != b1, -c_r, c_r)
    return s, c


def _rot_body(t_ref, ta_ref, wa_ref, h_ref, ec_ref, or_ref, oi_ref):
    a = t_ref[...] * (ta_ref[...] + wa_ref[...]) + h_ref[...]
    s, c = _sincos(a)
    er = ec_ref[..., :DIM]
    ei = ec_ref[..., DIM:]
    or_ref[...] = er * c - ei * s
    oi_ref[...] = er * s + ei * c


def _tc_rotate(t, ta3, wa, h, ec, B, L, half, nhalves):
    bb = 64
    b2 = B // nhalves
    grid = (b2 // bb,)
    off = half * (b2 // bb)
    blk = lambda i: (i + off, 0, 0)
    loc = lambda i: (i, 0, 0)
    zero = lambda i: (0, 0, 0)
    return pl.pallas_call(
        _rot_body,
        grid=grid,
        in_specs=[
            pl.BlockSpec((bb, L, 1), blk),
            pl.BlockSpec((1, 1, DIM), zero),
            pl.BlockSpec((bb, L, DIM), blk),
            pl.BlockSpec((bb, L, DIM), blk),
            pl.BlockSpec((bb, L, 2 * DIM), loc),
        ],
        out_specs=[pl.BlockSpec((bb, L, DIM), loc)] * 2,
        out_shape=[jax.ShapeDtypeStruct((b2, L, DIM), jnp.float32)] * 2,
    )(t, ta3, wa, h, ec)


def kernel(histories, sources, t, word_angles, emb_real, emb_imag,
           dimension_nums, rotary_denom):
    B, L, dim = histories.shape
    time_angle = 1.0 / rotary_denom ** (dimension_nums / dim)

    nh = 2
    b2 = B // nh
    ta3 = time_angle.reshape(1, 1, dim)
    res, ims = [], []
    ecs = []
    for half in range(nh):
        idx3 = lax.slice_in_dim(sources, half * b2, (half + 1) * b2, axis=0)
        ecs.append(_sc_gather(emb_real, emb_imag,
                              idx3.reshape(NW, b2 // NW, L), b2, L))
    for half in range(nh):
        o_re, o_im = _tc_rotate(t, ta3, word_angles, histories, ecs[half],
                                B, L, half, nh)
        res.append(o_re)
        ims.append(o_im)
    return lax.complex(jnp.concatenate(res, axis=0),
                       jnp.concatenate(ims, axis=0))

# --- scband reference (transcript-rebuilt; emitter-appended) ---
"""Pipeline reference for scband-output-10746008175491 (READ-ONLY COPY).

The authoritative reference and input builder live on the scoring server;
editing this copy changes nothing except your own understanding.
"""

import jax, jax.numpy as jnp
import numpy as np

VOCAB = 100000
DIM = 64
B = 4096
L = 50


def setup_inputs(seed: int = 0) -> dict:
    key = jax.random.key(seed)
    k1, k2, k3, k4, k5, k6 = jax.random.split(key, 6)
    histories = jax.random.normal(k1, (B, L, DIM), dtype=jnp.float32)
    sources = jax.random.randint(k2, (B, L), 0, VOCAB, dtype=jnp.int32)
    t = jax.random.uniform(k3, (B, L, 1), dtype=jnp.float32)
    word_angles = jax.random.normal(k4, (B, L, DIM), dtype=jnp.float32)
    # learned parameters (from __init__)
    emb_real = jax.random.normal(k5, (VOCAB, DIM), dtype=jnp.float32) * 0.02
    emb_imag = jax.random.normal(k6, (VOCAB, DIM), dtype=jnp.float32) * 0.02
    dimension_nums = jnp.arange(DIM, dtype=jnp.float32)  # requires_grad=False buffer
    rotary_denom = jnp.array(0.5, dtype=jnp.float32)      # trainable scalar
    return {
        'histories': histories,
        'sources': sources,
        't': t,
        'word_angles': word_angles,
        'emb_real': emb_real,
        'emb_imag': emb_imag,
        'dimension_nums': dimension_nums,
        'rotary_denom': rotary_denom,
    }


def reference(histories, sources, t, word_angles, emb_real, emb_imag, dimension_nums, rotary_denom):
    dim = dimension_nums.shape[0]
    time_angle = 1.0 / rotary_denom ** (dimension_nums / dim)
    total_angles = t * (time_angle + word_angles) + histories
    rotation = jax.lax.complex(jnp.cos(total_angles), jnp.sin(total_angles))
    er = jnp.take(emb_real, sources, axis=0)
    ei = jnp.take(emb_imag, sources, axis=0)
    emb = jax.lax.complex(er, ei)
    return emb * rotation

if __name__ == "__main__":
    import jax
    _d = setup_inputs()
    print(jax.jit(kernel)(*tuple(_d.values())))

</pallas_src>

<mosaic_0001>
#map = affine_map<(d0, d1) -> (0, 0)>
#map1 = affine_map<(d0, d1) -> (0, 0, 0)>
module attributes {stable_mosaic.version = 14 : i64} {
  func.func @gather_kernel(%arg0: i32, %arg1: i32, %arg2: memref<100000x64xf32, #tpu.memory_space<hbm>>, %arg3: memref<100000x64xf32, #tpu.memory_space<hbm>>, %arg4: memref<32x64x50xi32, #tpu.memory_space<hbm>>, %arg5: memref<2048x50x128xf32, #tpu.memory_space<hbm>>, %arg6: memref<64x50xi32, #tpu.memory_space<vmem>>, %arg7: memref<2x50x64xf32, #tpu.memory_space<vmem>>, %arg8: memref<2x50x64xf32, #tpu.memory_space<vmem>>, %arg9: memref<!tpu.dma_semaphore, #tpu.memory_space<semaphore_mem>>, %arg10: memref<!tpu.dma_semaphore, #tpu.memory_space<semaphore_mem>>, %arg11: memref<!tpu.dma_semaphore, #tpu.memory_space<semaphore_mem>>, %arg12: memref<!tpu.dma_semaphore, #tpu.memory_space<semaphore_mem>>) attributes {dimension_semantics = [#tpu.dimension_semantics<core_parallel>, #tpu.dimension_semantics<subcore_parallel>], iteration_bounds = array<i64: 2, 16>, scalar_prefetch = 0 : i64, scratch_operands = 7 : i64, tpu.core_type = #tpu.core_type<sc_vector_subcore>, window_params = [{transform_indices = #map}, {transform_indices = #map}, {transform_indices = #map1}, {transform_indices = #map1}]} {
    %mul3A = arith.constant 2 : i32
    %mul3A_0 = arith.muli %arg1, %mul3A : i32
    %add3A = arith.addi %mul3A_0, %arg0 : i32
    %mul3A_1 = arith.constant 64 : i32
    %mul3A_2 = arith.muli %add3A, %mul3A_1 : i32
    "tpu.region"() ({
      %run_scoped3A = tpu.sem_alloc : memref<!tpu.dma_semaphore, #tpu.memory_space<semaphore_mem>>
      %dma_start3A_31 = arith.constant 0 : i32
      %dma_start3A_32 = arith.constant 0 : i32
      %dma_start3A_33 = tpu.memref_slice %arg4[%add3A, %dma_start3A_31, %dma_start3A_32] : memref<32x64x50xi32, #tpu.memory_space<hbm>> -> memref<1x64x50xi32, #tpu.memory_space<hbm>>
      %dma_start3A_34 = tpu.memref_squeeze %dma_start3A_33 : memref<1x64x50xi32, #tpu.memory_space<hbm>> -> memref<64x50xi32, #tpu.memory_space<hbm>>
      %dma_start3A_35 = arith.constant 0 : i32
      %dma_start3A_36 = arith.constant 0 : i32
      %dma_start3A_37 = tpu.memref_slice %arg4[%add3A, %dma_start3A_35, %dma_start3A_36] : memref<32x64x50xi32, #tpu.memory_space<hbm>> -> memref<1x64x50xi32, #tpu.memory_space<hbm>>
      %dma_start3A_38 = tpu.memref_squeeze %dma_start3A_37 : memref<1x64x50xi32, #tpu.memory_space<hbm>> -> memref<64x50xi32, #tpu.memory_space<hbm>>
      tpu.enqueue_dma source(%dma_start3A_38 : memref<64x50xi32, #tpu.memory_space<hbm>>) target(%arg6 : memref<64x50xi32, #tpu.memory_space<vmem>>) target_semaphore(%run_scoped3A : memref<!tpu.dma_semaphore, #tpu.memory_space<semaphore_mem>>)
      %dma_wait3A = arith.constant 0 : i32
      %dma_wait3A_39 = arith.constant 0 : i32
      %dma_wait3A_40 = tpu.memref_slice %arg4[%add3A, %dma_wait3A, %dma_wait3A_39] : memref<32x64x50xi32, #tpu.memory_space<hbm>> -> memref<1x64x50xi32, #tpu.memory_space<hbm>>
      %dma_wait3A_41 = tpu.memref_squeeze %dma_wait3A_40 : memref<1x64x50xi32, #tpu.memory_space<hbm>> -> memref<64x50xi32, #tpu.memory_space<hbm>>
      %dma_wait3A_42 = arith.constant 0 : i32
      %dma_wait3A_43 = arith.constant 0 : i32
      %dma_wait3A_44 = tpu.memref_slice %arg4[%add3A, %dma_wait3A_42, %dma_wait3A_43] : memref<32x64x50xi32, #tpu.memory_space<hbm>> -> memref<1x64x50xi32, #tpu.memory_space<hbm>>
      %dma_wait3A_45 = tpu.memref_squeeze %dma_wait3A_44 : memref<1x64x50xi32, #tpu.memory_space<hbm>> -> memref<64x50xi32, #tpu.memory_space<hbm>>
      tpu.wait_dma2 semaphore(%run_scoped3A : memref<!tpu.dma_semaphore, #tpu.memory_space<semaphore_mem>>) src(%dma_wait3A_45 : memref<64x50xi32, #tpu.memory_space<hbm>>) dst(%arg6 : memref<64x50xi32, #tpu.memory_space<vmem>>)
      tpu.yield
    }) : () -> ()
    %dma_start3A = arith.constant 0 : i32
    %dma_start3A_3 = arith.constant 0 : i32
    %dma_start3A_4 = arith.constant 0 : i32
    %dma_start3A_5 = arith.constant 0 : i32
    %dma_start3A_6 = tpu.memref_slice %arg7[%dma_start3A_3, %dma_start3A_4, %dma_start3A_5] : memref<2x50x64xf32, #tpu.memory_space<vmem>> -> memref<1x50x64xf32, #tpu.memory_space<vmem>>
    %dma_start3A_7 = tpu.memref_squeeze %dma_start3A_6 : memref<1x50x64xf32, #tpu.memory_space<vmem>> -> memref<50x64xf32, #tpu.memory_space<vmem>>
    %dma_start3A_8 = arith.constant 0 : i32
    %dma_start3A_9 = tpu.memref_slice %arg6[%dma_start3A, %dma_start3A_8] : memref<64x50xi32, #tpu.memory_space<vmem>> -> memref<1x50xi32, #tpu.memory_space<vmem>>
    %dma_start3A_10 = tpu.memref_squeeze %dma_start3A_9 : memref<1x50xi32, #tpu.memory_space<vmem>> -> memref<50xi32, #tpu.memory_space<vmem>>
    %dma_start3A_11 = arith.constant 0 : i32
    %dma_start3A_12 = arith.constant 0 : i32
    %dma_start3A_13 = tpu.memref_slice %arg2[%dma_start3A_11, %dma_start3A_12] : memref<100000x64xf32, #tpu.memory_space<hbm>> -> memref<100000x64xf32, #tpu.memory_space<hbm>>
    tpu.enqueue_indirect_dma source(%dma_start3A_13 : memref<100000x64xf32, #tpu.memory_space<hbm>>) target(%dma_start3A_7 : memref<50x64xf32, #tpu.memory_space<vmem>>) offsets(%dma_start3A_10 : memref<50xi32, #tpu.memory_space<vmem>>) semaphore(%arg9 : memref<!tpu.dma_semaphore, #tpu.memory_space<semaphore_mem>>)
    %dma_start3A_14 = arith.constant 0 : i32
    %dma_start3A_15 = arith.constant 0 : i32
    %dma_start3A_16 = arith.constant 0 : i32
    %dma_start3A_17 = arith.constant 0 : i32
    %dma_start3A_18 = tpu.memref_slice %arg8[%dma_start3A_15, %dma_start3A_16, %dma_start3A_17] : memref<2x50x64xf32, #tpu.memory_space<vmem>> -> memref<1x50x64xf32, #tpu.memory_space<vmem>>
    %dma_start3A_19 = tpu.memref_squeeze %dma_start3A_18 : memref<1x50x64xf32, #tpu.memory_space<vmem>> -> memref<50x64xf32, #tpu.memory_space<vmem>>
    %dma_start3A_20 = arith.constant 0 : i32
    %dma_start3A_21 = tpu.memref_slice %arg6[%dma_start3A_14, %dma_start3A_20] : memref<64x50xi32, #tpu.memory_space<vmem>> -> memref<1x50xi32, #tpu.memory_space<vmem>>
    %dma_start3A_22 = tpu.memref_squeeze %dma_start3A_21 : memref<1x50xi32, #tpu.memory_space<vmem>> -> memref<50xi32, #tpu.memory_space<vmem>>
    %dma_start3A_23 = arith.constant 0 : i32
    %dma_start3A_24 = arith.constant 0 : i32
    %dma_start3A_25 = tpu.memref_slice %arg3[%dma_start3A_23, %dma_start3A_24] : memref<100000x64xf32, #tpu.memory_space<hbm>> -> memref<100000x64xf32, #tpu.memory_space<hbm>>
    tpu.enqueue_indirect_dma source(%dma_start3A_25 : memref<100000x64xf32, #tpu.memory_space<hbm>>) target(%dma_start3A_19 : memref<50x64xf32, #tpu.memory_space<vmem>>) offsets(%dma_start3A_22 : memref<50xi32, #tpu.memory_space<vmem>>) semaphore(%arg11 : memref<!tpu.dma_semaphore, #tpu.memory_space<semaphore_mem>>)
    %scan3A = arith.constant 0 : i32
    %scan3A_26 = arith.constant 0 : i32
    %scan3A_27 = arith.constant 32 : i32
    %scan3A_28 = arith.addi %scan3A_26, %scan3A_27 : i32
    %scan3A_29 = arith.constant 1 : i32
    scf.for %scan3A_31 = %scan3A_26 to %scan3A_28 step %scan3A_29  : i32 {
      %mul3A_32 = arith.constant 2 : i32
      %mul3A_33 = arith.muli %mul3A_32, %scan3A_31 : i32
      %add3A_34 = arith.constant 1 : i32
      %add3A_35 = arith.addi %mul3A_33, %add3A_34 : i32
      %dma_start3A_36 = arith.constant 1 : i32
      %dma_start3A_37 = arith.constant 0 : i32
      %dma_start3A_38 = arith.constant 0 : i32
      %dma_start3A_39 = tpu.memref_slice %arg7[%dma_start3A_36, %dma_start3A_37, %dma_start3A_38] : memref<2x50x64xf32, #tpu.memory_space<vmem>> -> memref<1x50x64xf32, #tpu.memory_space<vmem>>
      %dma_start3A_40 = tpu.memref_squeeze %dma_start3A_39 : memref<1x50x64xf32, #tpu.memory_space<vmem>> -> memref<50x64xf32, #tpu.memory_space<vmem>>
      %dma_start3A_41 = arith.constant 0 : i32
      %dma_start3A_42 = tpu.memref_slice %arg6[%add3A_35, %dma_start3A_41] : memref<64x50xi32, #tpu.memory_space<vmem>> -> memref<1x50xi32, #tpu.memory_space<vmem>>
      %dma_start3A_43 = tpu.memref_squeeze %dma_start3A_42 : memref<1x50xi32, #tpu.memory_space<vmem>> -> memref<50xi32, #tpu.memory_space<vmem>>
      %dma_start3A_44 = arith.constant 0 : i32
      %dma_start3A_45 = arith.constant 0 : i32
      %dma_start3A_46 = tpu.memref_slice %arg2[%dma_start3A_44, %dma_start3A_45] : memref<100000x64xf32, #tpu.memory_space<hbm>> -> memref<100000x64xf32, #tpu.memory_space<hbm>>
      tpu.enqueue_indirect_dma source(%dma_start3A_46 : memref<100000x64xf32, #tpu.memory_space<hbm>>) target(%dma_start3A_40 : memref<50x64xf32, #tpu.memory_space<vmem>>) offsets(%dma_start3A_43 : memref<50xi32, #tpu.memory_space<vmem>>) semaphore(%arg10 : memref<!tpu.dma_semaphore, #tpu.memory_space<semaphore_mem>>)
      %dma_start3A_47 = arith.constant 1 : i32
      %dma_start3A_48 = arith.constant 0 : i32
      %dma_start3A_49 = arith.constant 0 : i32
      %dma_start3A_50 = tpu.memref_slice %arg8[%dma_start3A_47, %dma_start3A_48, %dma_start3A_49] : memref<2x50x64xf32, #tpu.memory_space<vmem>> -> memref<1x50x64xf32, #tpu.memory_space<vmem>>
      %dma_start3A_51 = tpu.memref_squeeze %dma_start3A_50 : memref<1x50x64xf32, #tpu.memory_space<vmem>> -> memref<50x64xf32, #tpu.memory_space<vmem>>
      %dma_start3A_52 = arith.constant 0 : i32
      %dma_start3A_53 = tpu.memref_slice %arg6[%add3A_35, %dma_start3A_52] : memref<64x50xi32, #tpu.memory_space<vmem>> -> memref<1x50xi32, #tpu.memory_space<vmem>>
      %dma_start3A_54 = tpu.memref_squeeze %dma_start3A_53 : memref<1x50xi32, #tpu.memory_space<vmem>> -> memref<50xi32, #tpu.memory_space<vmem>>
      %dma_start3A_55 = arith.constant 0 : i32
      %dma_start3A_56 = arith.constant 0 : i32
      %dma_start3A_57 = tpu.memref_slice %arg3[%dma_start3A_55, %dma_start3A_56] : memref<100000x64xf32, #tpu.memory_space<hbm>> -> memref<100000x64xf32, #tpu.memory_space<hbm>>
      tpu.enqueue_indirect_dma source(%dma_start3A_57 : memref<100000x64xf32, #tpu.memory_space<hbm>>) target(%dma_start3A_51 : memref<50x64xf32, #tpu.memory_space<vmem>>) offsets(%dma_start3A_54 : memref<50xi32, #tpu.memory_space<vmem>>) semaphore(%arg12 : memref<!tpu.dma_semaphore, #tpu.memory_space<semaphore_mem>>)
      %dma_wait3A = arith.constant 0 : i32
      %dma_wait3A_58 = arith.constant 0 : i32
      %dma_wait3A_59 = arith.constant 0 : i32
      %dma_wait3A_60 = tpu.memref_slice %arg7[%dma_wait3A, %dma_wait3A_58, %dma_wait3A_59] : memref<2x50x64xf32, #tpu.memory_space<vmem>> -> memref<1x50x64xf32, #tpu.memory_space<vmem>>
      %dma_wait3A_61 = tpu.memref_squeeze %dma_wait3A_60 : memref<1x50x64xf32, #tpu.memory_space<vmem>> -> memref<50x64xf32, #tpu.memory_space<vmem>>
      %dma_wait3A_62 = arith.constant 0 : i32
      %dma_wait3A_63 = tpu.memref_slice %arg6[%mul3A_33, %dma_wait3A_62] : memref<64x50xi32, #tpu.memory_space<vmem>> -> memref<1x50xi32, #tpu.memory_space<vmem>>
      %dma_wait3A_64 = tpu.memref_squeeze %dma_wait3A_63 : memref<1x50xi32, #tpu.memory_space<vmem>> -> memref<50xi32, #tpu.memory_space<vmem>>
      %dma_wait3A_65 = arith.constant 0 : i32
      %dma_wait3A_66 = arith.constant 0 : i32
      %dma_wait3A_67 = tpu.memref_slice %arg2[%dma_wait3A_65, %dma_wait3A_66] : memref<100000x64xf32, #tpu.memory_space<hbm>> -> memref<100000x64xf32, #tpu.memory_space<hbm>>
      tpu.wait_indirect_dma semaphore(%arg9 : memref<!tpu.dma_semaphore, #tpu.memory_space<semaphore_mem>>) src(%dma_wait3A_67 : memref<100000x64xf32, #tpu.memory_space<hbm>>) dst(%dma_wait3A_61 : memref<50x64xf32, #tpu.memory_space<vmem>>)
      %dma_wait3A_68 = arith.constant 0 : i32
      %dma_wait3A_69 = arith.constant 0 : i32
      %dma_wait3A_70 = arith.constant 0 : i32
      %dma_wait3A_71 = tpu.memref_slice %arg8[%dma_wait3A_68, %dma_wait3A_69, %dma_wait3A_70] : memref<2x50x64xf32, #tpu.memory_space<vmem>> -> memref<1x50x64xf32, #tpu.memory_space<vmem>>
      %dma_wait3A_72 = tpu.memref_squeeze %dma_wait3A_71 : memref<1x50x64xf32, #tpu.memory_space<vmem>> -> memref<50x64xf32, #tpu.memory_space<vmem>>
      %dma_wait3A_73 = arith.constant 0 : i32
      %dma_wait3A_74 = tpu.memref_slice %arg6[%mul3A_33, %dma_wait3A_73] : memref<64x50xi32, #tpu.memory_space<vmem>> -> memref<1x50xi32, #tpu.memory_space<vmem>>
      %dma_wait3A_75 = tpu.memref_squeeze %dma_wait3A_74 : memref<1x50xi32, #tpu.memory_space<vmem>> -> memref<50xi32, #tpu.memory_space<vmem>>
      %dma_wait3A_76 = arith.constant 0 : i32
      %dma_wait3A_77 = arith.constant 0 : i32
      %dma_wait3A_78 = tpu.memref_slice %arg3[%dma_wait3A_76, %dma_wait3A_77] : memref<100000x64xf32, #tpu.memory_space<hbm>> -> memref<100000x64xf32, #tpu.memory_space<hbm>>
      tpu.wait_indirect_dma semaphore(%arg11 : memref<!tpu.dma_semaphore, #tpu.memory_space<semaphore_mem>>) src(%dma_wait3A_78 : memref<100000x64xf32, #tpu.memory_space<hbm>>) dst(%dma_wait3A_72 : memref<50x64xf32, #tpu.memory_space<vmem>>)
      %add3A_79 = arith.addi %mul3A_2, %mul3A_33 : i32
      %run_scoped3A = arith.constant 0 : i32
      "tpu.region"() ({
        %run_scoped3A_114 = tpu.sem_alloc : memref<!tpu.dma_semaphore, #tpu.memory_space<semaphore_mem>>
        %dma_start3A_115 = arith.constant 0 : i32
        %dma_start3A_116 = arith.constant 0 : i32
        %dma_start3A_117 = tpu.memref_slice %arg7[%run_scoped3A, %dma_start3A_115, %dma_start3A_116] : memref<2x50x64xf32, #tpu.memory_space<vmem>> -> memref<1x50x64xf32, #tpu.memory_space<vmem>>
        %dma_start3A_118 = tpu.memref_squeeze %dma_start3A_117 : memref<1x50x64xf32, #tpu.memory_space<vmem>> -> memref<50x64xf32, #tpu.memory_space<vmem>>
        %dma_start3A_119 = arith.constant 0 : i32
        %dma_start3A_120 = arith.constant 0 : i32
        %dma_start3A_121 = tpu.memref_slice %arg5[%add3A_79, %dma_start3A_119, %dma_start3A_120] : memref<2048x50x128xf32, #tpu.memory_space<hbm>> -> memref<1x50x64xf32, #tpu.memory_space<hbm>>
        %dma_start3A_122 = tpu.memref_squeeze %dma_start3A_121 : memref<1x50x64xf32, #tpu.memory_space<hbm>> -> memref<50x64xf32, #tpu.memory_space<hbm>>
        %dma_start3A_123 = arith.constant 0 : i32
        %dma_start3A_124 = arith.constant 0 : i32
        %dma_start3A_125 = tpu.memref_slice %arg5[%add3A_79, %dma_start3A_123, %dma_start3A_124] : memref<2048x50x128xf32, #tpu.memory_space<hbm>> -> memref<1x50x64xf32, #tpu.memory_space<hbm>>
        %dma_start3A_126 = tpu.memref_squeeze %dma_start3A_125 : memref<1x50x64xf32, #tpu.memory_space<hbm>> -> memref<50x64xf32, #tpu.memory_space<hbm>>
        %dma_start3A_127 = arith.constant 0 : i32
        %dma_start3A_128 = arith.constant 0 : i32
        %dma_start3A_129 = tpu.memref_slice %arg7[%run_scoped3A, %dma_start3A_127, %dma_start3A_128] : memref<2x50x64xf32, #tpu.memory_space<vmem>> -> memref<1x50x64xf32, #tpu.memory_space<vmem>>
        %dma_start3A_130 = tpu.memref_squeeze %dma_start3A_129 : memref<1x50x64xf32, #tpu.memory_space<vmem>> -> memref<50x64xf32, #tpu.memory_space<vmem>>
        tpu.enqueue_dma source(%dma_start3A_130 : memref<50x64xf32, #tpu.memory_space<vmem>>) target(%dma_start3A_126 : memref<50x64xf32, #tpu.memory_space<hbm>>) target_semaphore(%run_scoped3A_114 : memref<!tpu.dma_semaphore, #tpu.memory_space<semaphore_mem>>)
        %dma_wait3A_131 = arith.constant 0 : i32
        %dma_wait3A_132 = arith.constant 0 : i32
        %dma_wait3A_133 = tpu.memref_slice %arg7[%run_scoped3A, %dma_wait3A_131, %dma_wait3A_132] : memref<2x50x64xf32, #tpu.memory_space<vmem>> -> memref<1x50x64xf32, #tpu.memory_space<vmem>>
        %dma_wait3A_134 = tpu.memref_squeeze %dma_wait3A_133 : memref<1x50x64xf32, #tpu.memory_space<vmem>> -> memref<50x64xf32, #tpu.memory_space<vmem>>
        %dma_wait3A_135 = arith.constant 0 : i32
        %dma_wait3A_136 = arith.constant 0 : i32
        %dma_wait3A_137 = tpu.memref_slice %arg5[%add3A_79, %dma_wait3A_135, %dma_wait3A_136] : memref<2048x50x128xf32, #tpu.memory_space<hbm>> -> memref<1x50x64xf32, #tpu.memory_space<hbm>>
        %dma_wait3A_138 = tpu.memref_squeeze %dma_wait3A_137 : memref<1x50x64xf32, #tpu.memory_space<hbm>> -> memref<50x64xf32, #tpu.memory_space<hbm>>
        %dma_wait3A_139 = arith.constant 0 : i32
        %dma_wait3A_140 = arith.constant 0 : i32
        %dma_wait3A_141 = tpu.memref_slice %arg5[%add3A_79, %dma_wait3A_139, %dma_wait3A_140] : memref<2048x50x128xf32, #tpu.memory_space<hbm>> -> memref<1x50x64xf32, #tpu.memory_space<hbm>>
        %dma_wait3A_142 = tpu.memref_squeeze %dma_wait3A_141 : memref<1x50x64xf32, #tpu.memory_space<hbm>> -> memref<50x64xf32, #tpu.memory_space<hbm>>
        %dma_wait3A_143 = arith.constant 0 : i32
        %dma_wait3A_144 = arith.constant 0 : i32
        %dma_wait3A_145 = tpu.memref_slice %arg7[%run_scoped3A, %dma_wait3A_143, %dma_wait3A_144] : memref<2x50x64xf32, #tpu.memory_space<vmem>> -> memref<1x50x64xf32, #tpu.memory_space<vmem>>
        %dma_wait3A_146 = tpu.memref_squeeze %dma_wait3A_145 : memref<1x50x64xf32, #tpu.memory_space<vmem>> -> memref<50x64xf32, #tpu.memory_space<vmem>>
        tpu.wait_dma2 semaphore(%run_scoped3A_114 : memref<!tpu.dma_semaphore, #tpu.memory_space<semaphore_mem>>) src(%dma_wait3A_146 : memref<50x64xf32, #tpu.memory_space<vmem>>) dst(%dma_wait3A_142 : memref<50x64xf32, #tpu.memory_space<hbm>>)
        tpu.yield
      }) : () -> ()
      %add3A_80 = arith.addi %mul3A_2, %mul3A_33 : i32
      %run_scoped3A_81 = arith.constant 0 : i32
      "tpu.region"() ({
        %run_scoped3A_114 = tpu.sem_alloc : memref<!tpu.dma_semaphore, #tpu.memory_space<semaphore_mem>>
        %dma_start3A_115 = arith.constant 0 : i32
        %dma_start3A_116 = arith.constant 0 : i32
        %dma_start3A_117 = tpu.memref_slice %arg8[%run_scoped3A_81, %dma_start3A_115, %dma_start3A_116] : memref<2x50x64xf32, #tpu.memory_space<vmem>> -> memref<1x50x64xf32, #tpu.memory_space<vmem>>
        %dma_start3A_118 = tpu.memref_squeeze %dma_start3A_117 : memref<1x50x64xf32, #tpu.memory_space<vmem>> -> memref<50x64xf32, #tpu.memory_space<vmem>>
        %dma_start3A_119 = arith.constant 0 : i32
        %dma_start3A_120 = arith.constant 64 : i32
        %dma_start3A_121 = tpu.memref_slice %arg5[%add3A_80, %dma_start3A_119, %dma_start3A_120] : memref<2048x50x128xf32, #tpu.memory_space<hbm>> -> memref<1x50x64xf32, #tpu.memory_space<hbm>>
        %dma_start3A_122 = tpu.memref_squeeze %dma_start3A_121 : memref<1x50x64xf32, #tpu.memory_space<hbm>> -> memref<50x64xf32, #tpu.memory_space<hbm>>
        %dma_start3A_123 = arith.constant 0 : i32
        %dma_start3A_124 = arith.constant 64 : i32
        %dma_start3A_125 = tpu.memref_slice %arg5[%add3A_80, %dma_start3A_123, %dma_start3A_124] : memref<2048x50x128xf32, #tpu.memory_space<hbm>> -> memref<1x50x64xf32, #tpu.memory_space<hbm>>
        %dma_start3A_126 = tpu.memref_squeeze %dma_start3A_125 : memref<1x50x64xf32, #tpu.memory_space<hbm>> -> memref<50x64xf32, #tpu.memory_space<hbm>>
        %dma_start3A_127 = arith.constant 0 : i32
        %dma_start3A_128 = arith.constant 0 : i32
        %dma_start3A_129 = tpu.memref_slice %arg8[%run_scoped3A_81, %dma_start3A_127, %dma_start3A_128] : memref<2x50x64xf32, #tpu.memory_space<vmem>> -> memref<1x50x64xf32, #tpu.memory_space<vmem>>
        %dma_start3A_130 = tpu.memref_squeeze %dma_start3A_129 : memref<1x50x64xf32, #tpu.memory_space<vmem>> -> memref<50x64xf32, #tpu.memory_space<vmem>>
        tpu.enqueue_dma source(%dma_start3A_130 : memref<50x64xf32, #tpu.memory_space<vmem>>) target(%dma_start3A_126 : memref<50x64xf32, #tpu.memory_space<hbm>>) target_semaphore(%run_scoped3A_114 : memref<!tpu.dma_semaphore, #tpu.memory_space<semaphore_mem>>)
        %dma_wait3A_131 = arith.constant 0 : i32
        %dma_wait3A_132 = arith.constant 0 : i32
        %dma_wait3A_133 = tpu.memref_slice %arg8[%run_scoped3A_81, %dma_wait3A_131, %dma_wait3A_132] : memref<2x50x64xf32, #tpu.memory_space<vmem>> -> memref<1x50x64xf32, #tpu.memory_space<vmem>>
        %dma_wait3A_134 = tpu.memref_squeeze %dma_wait3A_133 : memref<1x50x64xf32, #tpu.memory_space<vmem>> -> memref<50x64xf32, #tpu.memory_space<vmem>>
        %dma_wait3A_135 = arith.constant 0 : i32
        %dma_wait3A_136 = arith.constant 64 : i32
        %dma_wait3A_137 = tpu.memref_slice %arg5[%add3A_80, %dma_wait3A_135, %dma_wait3A_136] : memref<2048x50x128xf32, #tpu.memory_space<hbm>> -> memref<1x50x64xf32, #tpu.memory_space<hbm>>
        %dma_wait3A_138 = tpu.memref_squeeze %dma_wait3A_137 : memref<1x50x64xf32, #tpu.memory_space<hbm>> -> memref<50x64xf32, #tpu.memory_space<hbm>>
        %dma_wait3A_139 = arith.constant 0 : i32
        %dma_wait3A_140 = arith.constant 64 : i32
        %dma_wait3A_141 = tpu.memref_slice %arg5[%add3A_80, %dma_wait3A_139, %dma_wait3A_140] : memref<2048x50x128xf32, #tpu.memory_space<hbm>> -> memref<1x50x64xf32, #tpu.memory_space<hbm>>
        %dma_wait3A_142 = tpu.memref_squeeze %dma_wait3A_141 : memref<1x50x64xf32, #tpu.memory_space<hbm>> -> memref<50x64xf32, #tpu.memory_space<hbm>>
        %dma_wait3A_143 = arith.constant 0 : i32
        %dma_wait3A_144 = arith.constant 0 : i32
        %dma_wait3A_145 = tpu.memref_slice %arg8[%run_scoped3A_81, %dma_wait3A_143, %dma_wait3A_144] : memref<2x50x64xf32, #tpu.memory_space<vmem>> -> memref<1x50x64xf32, #tpu.memory_space<vmem>>
        %dma_wait3A_146 = tpu.memref_squeeze %dma_wait3A_145 : memref<1x50x64xf32, #tpu.memory_space<vmem>> -> memref<50x64xf32, #tpu.memory_space<vmem>>
        tpu.wait_dma2 semaphore(%run_scoped3A_114 : memref<!tpu.dma_semaphore, #tpu.memory_space<semaphore_mem>>) src(%dma_wait3A_146 : memref<50x64xf32, #tpu.memory_space<vmem>>) dst(%dma_wait3A_142 : memref<50x64xf32, #tpu.memory_space<hbm>>)
        tpu.yield
      }) : () -> ()
      %add3A_82 = arith.constant 2 : i32
      %add3A_83 = arith.addi %mul3A_33, %add3A_82 : i32
      %lt3A = arith.constant 64 : i32
      %lt3A_84 = arith.cmpi slt, %add3A_83, %lt3A : i32
      %convert_element_type3A = arith.extui %lt3A_84 : i1 to i32
      %cond3A = arith.constant 0 : i32
      %cond3A_85 = arith.cmpi ne, %convert_element_type3A, %cond3A : i32
      scf.if %cond3A_85 {
        %add3A_114 = arith.constant 2 : i32
        %add3A_115 = arith.addi %mul3A_33, %add3A_114 : i32
        %dma_start3A_116 = arith.constant 0 : i32
        %dma_start3A_117 = arith.constant 0 : i32
        %dma_start3A_118 = arith.constant 0 : i32
        %dma_start3A_119 = tpu.memref_slice %arg7[%dma_start3A_116, %dma_start3A_117, %dma_start3A_118] : memref<2x50x64xf32, #tpu.memory_space<vmem>> -> memref<1x50x64xf32, #tpu.memory_space<vmem>>
        %dma_start3A_120 = tpu.memref_squeeze %dma_start3A_119 : memref<1x50x64xf32, #tpu.memory_space<vmem>> -> memref<50x64xf32, #tpu.memory_space<vmem>>
        %dma_start3A_121 = arith.constant 0 : i32
        %dma_start3A_122 = tpu.memref_slice %arg6[%add3A_115, %dma_start3A_121] : memref<64x50xi32, #tpu.memory_space<vmem>> -> memref<1x50xi32, #tpu.memory_space<vmem>>
        %dma_start3A_123 = tpu.memref_squeeze %dma_start3A_122 : memref<1x50xi32, #tpu.memory_space<vmem>> -> memref<50xi32, #tpu.memory_space<vmem>>
        %dma_start3A_124 = arith.constant 0 : i32
        %dma_start3A_125 = arith.constant 0 : i32
        %dma_start3A_126 = tpu.memref_slice %arg2[%dma_start3A_124, %dma_start3A_125] : memref<100000x64xf32, #tpu.memory_space<hbm>> -> memref<100000x64xf32, #tpu.memory_space<hbm>>
        tpu.enqueue_indirect_dma source(%dma_start3A_126 : memref<100000x64xf32, #tpu.memory_space<hbm>>) target(%dma_start3A_120 : memref<50x64xf32, #tpu.memory_space<vmem>>) offsets(%dma_start3A_123 : memref<50xi32, #tpu.memory_space<vmem>>) semaphore(%arg9 : memref<!tpu.dma_semaphore, #tpu.memory_space<semaphore_mem>>)
        %dma_start3A_127 = arith.constant 0 : i32
        %dma_start3A_128 = arith.constant 0 : i32
        %dma_start3A_129 = arith.constant 0 : i32
        %dma_start3A_130 = tpu.memref_slice %arg8[%dma_start3A_127, %dma_start3A_128, %dma_start3A_129] : memref<2x50x64xf32, #tpu.memory_space<vmem>> -> memref<1x50x64xf32, #tpu.memory_space<vmem>>
        %dma_start3A_131 = tpu.memref_squeeze %dma_start3A_130 : memref<1x50x64xf32, #tpu.memory_space<vmem>> -> memref<50x64xf32, #tpu.memory_space<vmem>>
        %dma_start3A_132 = arith.constant 0 : i32
        %dma_start3A_133 = tpu.memref_slice %arg6[%add3A_115, %dma_start3A_132] : memref<64x50xi32, #tpu.memory_space<vmem>> -> memref<1x50xi32, #tpu.memory_space<vmem>>
        %dma_start3A_134 = tpu.memref_squeeze %dma_start3A_133 : memref<1x50xi32, #tpu.memory_space<vmem>> -> memref<50xi32, #tpu.memory_space<vmem>>
        %dma_start3A_135 = arith.constant 0 : i32
        %dma_start3A_136 = arith.constant 0 : i32
        %dma_start3A_137 = tpu.memref_slice %arg3[%dma_start3A_135, %dma_start3A_136] : memref<100000x64xf32, #tpu.memory_space<hbm>> -> memref<100000x64xf32, #tpu.memory_space<hbm>>
        tpu.enqueue_indirect_dma source(%dma_start3A_137 : memref<100000x64xf32, #tpu.memory_space<hbm>>) target(%dma_start3A_131 : memref<50x64xf32, #tpu.memory_space<vmem>>) offsets(%dma_start3A_134 : memref<50xi32, #tpu.memory_space<vmem>>) semaphore(%arg11 : memref<!tpu.dma_semaphore, #tpu.memory_space<semaphore_mem>>)
      } else {
      }
      %add3A_86 = arith.constant 1 : i32
      %add3A_87 = arith.addi %mul3A_33, %add3A_86 : i32
      %dma_wait3A_88 = arith.constant 1 : i32
      %dma_wait3A_89 = arith.constant 0 : i32
      %dma_wait3A_90 = arith.constant 0 : i32
      %dma_wait3A_91 = tpu.memref_slice %arg7[%dma_wait3A_88, %dma_wait3A_89, %dma_wait3A_90] : memref<2x50x64xf32, #tpu.memory_space<vmem>> -> memref<1x50x64xf32, #tpu.memory_space<vmem>>
      %dma_wait3A_92 = tpu.memref_squeeze %dma_wait3A_91 : memref<1x50x64xf32, #tpu.memory_space<vmem>> -> memref<50x64xf32, #tpu.memory_space<vmem>>
      %dma_wait3A_93 = arith.constant 0 : i32
      %dma_wait3A_94 = tpu.memref_slice %arg6[%add3A_87, %dma_wait3A_93] : memref<64x50xi32, #tpu.memory_space<vmem>> -> memref<1x50xi32, #tpu.memory_space<vmem>>
      %dma_wait3A_95 = tpu.memref_squeeze %dma_wait3A_94 : memref<1x50xi32, #tpu.memory_space<vmem>> -> memref<50xi32, #tpu.memory_space<vmem>>
      %dma_wait3A_96 = arith.constant 0 : i32
      %dma_wait3A_97 = arith.constant 0 : i32
      %dma_wait3A_98 = tpu.memref_slice %arg2[%dma_wait3A_96, %dma_wait3A_97] : memref<100000x64xf32, #tpu.memory_space<hbm>> -> memref<100000x64xf32, #tpu.memory_space<hbm>>
      tpu.wait_indirect_dma semaphore(%arg10 : memref<!tpu.dma_semaphore, #tpu.memory_space<semaphore_mem>>) src(%dma_wait3A_98 : memref<100000x64xf32, #tpu.memory_space<hbm>>) dst(%dma_wait3A_92 : memref<50x64xf32, #tpu.memory_space<vmem>>)
      %dma_wait3A_99 = arith.constant 1 : i32
      %dma_wait3A_100 = arith.constant 0 : i32
      %dma_wait3A_101 = arith.constant 0 : i32
      %dma_wait3A_102 = tpu.memref_slice %arg8[%dma_wait3A_99, %dma_wait3A_100, %dma_wait3A_101] : memref<2x50x64xf32, #tpu.memory_space<vmem>> -> memref<1x50x64xf32, #tpu.memory_space<vmem>>
      %dma_wait3A_103 = tpu.memref_squeeze %dma_wait3A_102 : memref<1x50x64xf32, #tpu.memory_space<vmem>> -> memref<50x64xf32, #tpu.memory_space<vmem>>
      %dma_wait3A_104 = arith.constant 0 : i32
      %dma_wait3A_105 = tpu.memref_slice %arg6[%add3A_87, %dma_wait3A_104] : memref<64x50xi32, #tpu.memory_space<vmem>> -> memref<1x50xi32, #tpu.memory_space<vmem>>
      %dma_wait3A_106 = tpu.memref_squeeze %dma_wait3A_105 : memref<1x50xi32, #tpu.memory_space<vmem>> -> memref<50xi32, #tpu.memory_space<vmem>>
      %dma_wait3A_107 = arith.constant 0 : i32
      %dma_wait3A_108 = arith.constant 0 : i32
      %dma_wait3A_109 = tpu.memref_slice %arg3[%dma_wait3A_107, %dma_wait3A_108] : memref<100000x64xf32, #tpu.memory_space<hbm>> -> memref<100000x64xf32, #tpu.memory_space<hbm>>
      tpu.wait_indirect_dma semaphore(%arg12 : memref<!tpu.dma_semaphore, #tpu.memory_space<semaphore_mem>>) src(%dma_wait3A_109 : memref<100000x64xf32, #tpu.memory_space<hbm>>) dst(%dma_wait3A_103 : memref<50x64xf32, #tpu.memory_space<vmem>>)
      %add3A_110 = arith.addi %mul3A_2, %add3A_87 : i32
      %run_scoped3A_111 = arith.constant 1 : i32
      "tpu.region"() ({
        %run_scoped3A_114 = tpu.sem_alloc : memref<!tpu.dma_semaphore, #tpu.memory_space<semaphore_mem>>
        %dma_start3A_115 = arith.constant 0 : i32
        %dma_start3A_116 = arith.constant 0 : i32
        %dma_start3A_117 = tpu.memref_slice %arg7[%run_scoped3A_111, %dma_start3A_115, %dma_start3A_116] : memref<2x50x64xf32, #tpu.memory_space<vmem>> -> memref<1x50x64xf32, #tpu.memory_space<vmem>>
        %dma_start3A_118 = tpu.memref_squeeze %dma_start3A_117 : memref<1x50x64xf32, #tpu.memory_space<vmem>> -> memref<50x64xf32, #tpu.memory_space<vmem>>
        %dma_start3A_119 = arith.constant 0 : i32
        %dma_start3A_120 = arith.constant 0 : i32
        %dma_start3A_121 = tpu.memref_slice %arg5[%add3A_110, %dma_start3A_119, %dma_start3A_120] : memref<2048x50x128xf32, #tpu.memory_space<hbm>> -> memref<1x50x64xf32, #tpu.memory_space<hbm>>
        %dma_start3A_122 = tpu.memref_squeeze %dma_start3A_121 : memref<1x50x64xf32, #tpu.memory_space<hbm>> -> memref<50x64xf32, #tpu.memory_space<hbm>>
        %dma_start3A_123 = arith.constant 0 : i32
        %dma_start3A_124 = arith.constant 0 : i32
        %dma_start3A_125 = tpu.memref_slice %arg5[%add3A_110, %dma_start3A_123, %dma_start3A_124] : memref<2048x50x128xf32, #tpu.memory_space<hbm>> -> memref<1x50x64xf32, #tpu.memory_space<hbm>>
        %dma_start3A_126 = tpu.memref_squeeze %dma_start3A_125 : memref<1x50x64xf32, #tpu.memory_space<hbm>> -> memref<50x64xf32, #tpu.memory_space<hbm>>
        %dma_start3A_127 = arith.constant 0 : i32
        %dma_start3A_128 = arith.constant 0 : i32
        %dma_start3A_129 = tpu.memref_slice %arg7[%run_scoped3A_111, %dma_start3A_127, %dma_start3A_128] : memref<2x50x64xf32, #tpu.memory_space<vmem>> -> memref<1x50x64xf32, #tpu.memory_space<vmem>>
        %dma_start3A_130 = tpu.memref_squeeze %dma_start3A_129 : memref<1x50x64xf32, #tpu.memory_space<vmem>> -> memref<50x64xf32, #tpu.memory_space<vmem>>
        tpu.enqueue_dma source(%dma_start3A_130 : memref<50x64xf32, #tpu.memory_space<vmem>>) target(%dma_start3A_126 : memref<50x64xf32, #tpu.memory_space<hbm>>) target_semaphore(%run_scoped3A_114 : memref<!tpu.dma_semaphore, #tpu.memory_space<semaphore_mem>>)
        %dma_wait3A_131 = arith.constant 0 : i32
        %dma_wait3A_132 = arith.constant 0 : i32
        %dma_wait3A_133 = tpu.memref_slice %arg7[%run_scoped3A_111, %dma_wait3A_131, %dma_wait3A_132] : memref<2x50x64xf32, #tpu.memory_space<vmem>> -> memref<1x50x64xf32, #tpu.memory_space<vmem>>
        %dma_wait3A_134 = tpu.memref_squeeze %dma_wait3A_133 : memref<1x50x64xf32, #tpu.memory_space<vmem>> -> memref<50x64xf32, #tpu.memory_space<vmem>>
        %dma_wait3A_135 = arith.constant 0 : i32
        %dma_wait3A_136 = arith.constant 0 : i32
        %dma_wait3A_137 = tpu.memref_slice %arg5[%add3A_110, %dma_wait3A_135, %dma_wait3A_136] : memref<2048x50x128xf32, #tpu.memory_space<hbm>> -> memref<1x50x64xf32, #tpu.memory_space<hbm>>
        %dma_wait3A_138 = tpu.memref_squeeze %dma_wait3A_137 : memref<1x50x64xf32, #tpu.memory_space<hbm>> -> memref<50x64xf32, #tpu.memory_space<hbm>>
        %dma_wait3A_139 = arith.constant 0 : i32
        %dma_wait3A_140 = arith.constant 0 : i32
        %dma_wait3A_141 = tpu.memref_slice %arg5[%add3A_110, %dma_wait3A_139, %dma_wait3A_140] : memref<2048x50x128xf32, #tpu.memory_space<hbm>> -> memref<1x50x64xf32, #tpu.memory_space<hbm>>
        %dma_wait3A_142 = tpu.memref_squeeze %dma_wait3A_141 : memref<1x50x64xf32, #tpu.memory_space<hbm>> -> memref<50x64xf32, #tpu.memory_space<hbm>>
        %dma_wait3A_143 = arith.constant 0 : i32
        %dma_wait3A_144 = arith.constant 0 : i32
        %dma_wait3A_145 = tpu.memref_slice %arg7[%run_scoped3A_111, %dma_wait3A_143, %dma_wait3A_144] : memref<2x50x64xf32, #tpu.memory_space<vmem>> -> memref<1x50x64xf32, #tpu.memory_space<vmem>>
        %dma_wait3A_146 = tpu.memref_squeeze %dma_wait3A_145 : memref<1x50x64xf32, #tpu.memory_space<vmem>> -> memref<50x64xf32, #tpu.memory_space<vmem>>
        tpu.wait_dma2 semaphore(%run_scoped3A_114 : memref<!tpu.dma_semaphore, #tpu.memory_space<semaphore_mem>>) src(%dma_wait3A_146 : memref<50x64xf32, #tpu.memory_space<vmem>>) dst(%dma_wait3A_142 : memref<50x64xf32, #tpu.memory_space<hbm>>)
        tpu.yield
      }) : () -> ()
      %add3A_112 = arith.addi %mul3A_2, %add3A_87 : i32
      %run_scoped3A_113 = arith.constant 1 : i32
      "tpu.region"() ({
        %run_scoped3A_114 = tpu.sem_alloc : memref<!tpu.dma_semaphore, #tpu.memory_space<semaphore_mem>>
        %dma_start3A_115 = arith.constant 0 : i32
        %dma_start3A_116 = arith.constant 0 : i32
        %dma_start3A_117 = tpu.memref_slice %arg8[%run_scoped3A_113, %dma_start3A_115, %dma_start3A_116] : memref<2x50x64xf32, #tpu.memory_space<vmem>> -> memref<1x50x64xf32, #tpu.memory_space<vmem>>
        %dma_start3A_118 = tpu.memref_squeeze %dma_start3A_117 : memref<1x50x64xf32, #tpu.memory_space<vmem>> -> memref<50x64xf32, #tpu.memory_space<vmem>>
        %dma_start3A_119 = arith.constant 0 : i32
        %dma_start3A_120 = arith.constant 64 : i32
        %dma_start3A_121 = tpu.memref_slice %arg5[%add3A_112, %dma_start3A_119, %dma_start3A_120] : memref<2048x50x128xf32, #tpu.memory_space<hbm>> -> memref<1x50x64xf32, #tpu.memory_space<hbm>>
        %dma_start3A_122 = tpu.memref_squeeze %dma_start3A_121 : memref<1x50x64xf32, #tpu.memory_space<hbm>> -> memref<50x64xf32, #tpu.memory_space<hbm>>
        %dma_start3A_123 = arith.constant 0 : i32
        %dma_start3A_124 = arith.constant 64 : i32
        %dma_start3A_125 = tpu.memref_slice %arg5[%add3A_112, %dma_start3A_123, %dma_start3A_124] : memref<2048x50x128xf32, #tpu.memory_space<hbm>> -> memref<1x50x64xf32, #tpu.memory_space<hbm>>
        %dma_start3A_126 = tpu.memref_squeeze %dma_start3A_125 : memref<1x50x64xf32, #tpu.memory_space<hbm>> -> memref<50x64xf32, #tpu.memory_space<hbm>>
        %dma_start3A_127 = arith.constant 0 : i32
        %dma_start3A_128 = arith.constant 0 : i32
        %dma_start3A_129 = tpu.memref_slice %arg8[%run_scoped3A_113, %dma_start3A_127, %dma_start3A_128] : memref<2x50x64xf32, #tpu.memory_space<vmem>> -> memref<1x50x64xf32, #tpu.memory_space<vmem>>
        %dma_start3A_130 = tpu.memref_squeeze %dma_start3A_129 : memref<1x50x64xf32, #tpu.memory_space<vmem>> -> memref<50x64xf32, #tpu.memory_space<vmem>>
        tpu.enqueue_dma source(%dma_start3A_130 : memref<50x64xf32, #tpu.memory_space<vmem>>) target(%dma_start3A_126 : memref<50x64xf32, #tpu.memory_space<hbm>>) target_semaphore(%run_scoped3A_114 : memref<!tpu.dma_semaphore, #tpu.memory_space<semaphore_mem>>)
        %dma_wait3A_131 = arith.constant 0 : i32
        %dma_wait3A_132 = arith.constant 0 : i32
        %dma_wait3A_133 = tpu.memref_slice %arg8[%run_scoped3A_113, %dma_wait3A_131, %dma_wait3A_132] : memref<2x50x64xf32, #tpu.memory_space<vmem>> -> memref<1x50x64xf32, #tpu.memory_space<vmem>>
        %dma_wait3A_134 = tpu.memref_squeeze %dma_wait3A_133 : memref<1x50x64xf32, #tpu.memory_space<vmem>> -> memref<50x64xf32, #tpu.memory_space<vmem>>
        %dma_wait3A_135 = arith.constant 0 : i32
        %dma_wait3A_136 = arith.constant 64 : i32
        %dma_wait3A_137 = tpu.memref_slice %arg5[%add3A_112, %dma_wait3A_135, %dma_wait3A_136] : memref<2048x50x128xf32, #tpu.memory_space<hbm>> -> memref<1x50x64xf32, #tpu.memory_space<hbm>>
        %dma_wait3A_138 = tpu.memref_squeeze %dma_wait3A_137 : memref<1x50x64xf32, #tpu.memory_space<hbm>> -> memref<50x64xf32, #tpu.memory_space<hbm>>
        %dma_wait3A_139 = arith.constant 0 : i32
        %dma_wait3A_140 = arith.constant 64 : i32
        %dma_wait3A_141 = tpu.memref_slice %arg5[%add3A_112, %dma_wait3A_139, %dma_wait3A_140] : memref<2048x50x128xf32, #tpu.memory_space<hbm>> -> memref<1x50x64xf32, #tpu.memory_space<hbm>>
        %dma_wait3A_142 = tpu.memref_squeeze %dma_wait3A_141 : memref<1x50x64xf32, #tpu.memory_space<hbm>> -> memref<50x64xf32, #tpu.memory_space<hbm>>
        %dma_wait3A_143 = arith.constant 0 : i32
        %dma_wait3A_144 = arith.constant 0 : i32
        %dma_wait3A_145 = tpu.memref_slice %arg8[%run_scoped3A_113, %dma_wait3A_143, %dma_wait3A_144] : memref<2x50x64xf32, #tpu.memory_space<vmem>> -> memref<1x50x64xf32, #tpu.memory_space<vmem>>
        %dma_wait3A_146 = tpu.memref_squeeze %dma_wait3A_145 : memref<1x50x64xf32, #tpu.memory_space<vmem>> -> memref<50x64xf32, #tpu.memory_space<vmem>>
        tpu.wait_dma2 semaphore(%run_scoped3A_114 : memref<!tpu.dma_semaphore, #tpu.memory_space<semaphore_mem>>) src(%dma_wait3A_146 : memref<50x64xf32, #tpu.memory_space<vmem>>) dst(%dma_wait3A_142 : memref<50x64xf32, #tpu.memory_space<hbm>>)
        tpu.yield
      }) : () -> ()
    }
    %scan3A_30 = arith.constant 32 : i32
    return
  }
}

#map = affine_map<(d0, d1) -> (0, 0)>
#map1 = affine_map<(d0, d1) -> (0, 0, 0)>
module attributes {stable_mosaic.version = 14 : i64} {
  func.func @gather_kernel(%arg0: i32, %arg1: i32, %arg2: memref<100000x64xf32, #tpu.memory_space<hbm>>, %arg3: memref<100000x64xf32, #tpu.memory_space<hbm>>, %arg4: memref<32x64x50xi32, #tpu.memory_space<hbm>>, %arg5: memref<2048x50x128xf32, #tpu.memory_space<hbm>>, %arg6: memref<64x50xi32, #tpu.memory_space<vmem>>, %arg7: memref<2x50x64xf32, #tpu.memory_space<vmem>>, %arg8: memref<2x50x64xf32, #tpu.memory_space<vmem>>, %arg9: memref<!tpu.dma_semaphore, #tpu.memory_space<semaphore_mem>>, %arg10: memref<!tpu.dma_semaphore, #tpu.memory_space<semaphore_mem>>, %arg11: memref<!tpu.dma_semaphore, #tpu.memory_space<semaphore_mem>>, %arg12: memref<!tpu.dma_semaphore, #tpu.memory_space<semaphore_mem>>) attributes {dimension_semantics = [#tpu.dimension_semantics<core_parallel>, #tpu.dimension_semantics<subcore_parallel>], iteration_bounds = array<i64: 2, 16>, scalar_prefetch = 0 : i64, scratch_operands = 7 : i64, tpu.core_type = #tpu.core_type<sc_vector_subcore>, window_params = [{transform_indices = #map}, {transform_indices = #map}, {transform_indices = #map1}, {transform_indices = #map1}]} {
    %mul3A = arith.constant 2 : i32
    %mul3A_0 = arith.muli %arg1, %mul3A : i32
    %add3A = arith.addi %mul3A_0, %arg0 : i32
    %mul3A_1 = arith.constant 64 : i32
    %mul3A_2 = arith.muli %add3A, %mul3A_1 : i32
    "tpu.region"() ({
      %run_scoped3A = tpu.sem_alloc : memref<!tpu.dma_semaphore, #tpu.memory_space<semaphore_mem>>
      %dma_start3A_31 = arith.constant 0 : i32
      %dma_start3A_32 = arith.constant 0 : i32
      %dma_start3A_33 = tpu.memref_slice %arg4[%add3A, %dma_start3A_31, %dma_start3A_32] : memref<32x64x50xi32, #tpu.memory_space<hbm>> -> memref<1x64x50xi32, #tpu.memory_space<hbm>>
      %dma_start3A_34 = tpu.memref_squeeze %dma_start3A_33 : memref<1x64x50xi32, #tpu.memory_space<hbm>> -> memref<64x50xi32, #tpu.memory_space<hbm>>
      %dma_start3A_35 = arith.constant 0 : i32
      %dma_start3A_36 = arith.constant 0 : i32
      %dma_start3A_37 = tpu.memref_slice %arg4[%add3A, %dma_start3A_35, %dma_start3A_36] : memref<32x64x50xi32, #tpu.memory_space<hbm>> -> memref<1x64x50xi32, #tpu.memory_space<hbm>>
      %dma_start3A_38 = tpu.memref_squeeze %dma_start3A_37 : memref<1x64x50xi32, #tpu.memory_space<hbm>> -> memref<64x50xi32, #tpu.memory_space<hbm>>
      tpu.enqueue_dma source(%dma_start3A_38 : memref<64x50xi32, #tpu.memory_space<hbm>>) target(%arg6 : memref<64x50xi32, #tpu.memory_space<vmem>>) target_semaphore(%run_scoped3A : memref<!tpu.dma_semaphore, #tpu.memory_space<semaphore_mem>>)
      %dma_wait3A = arith.constant 0 : i32
      %dma_wait3A_39 = arith.constant 0 : i32
      %dma_wait3A_40 = tpu.memref_slice %arg4[%add3A, %dma_wait3A, %dma_wait3A_39] : memref<32x64x50xi32, #tpu.memory_space<hbm>> -> memref<1x64x50xi32, #tpu.memory_space<hbm>>
      %dma_wait3A_41 = tpu.memref_squeeze %dma_wait3A_40 : memref<1x64x50xi32, #tpu.memory_space<hbm>> -> memref<64x50xi32, #tpu.memory_space<hbm>>
      %dma_wait3A_42 = arith.constant 0 : i32
      %dma_wait3A_43 = arith.constant 0 : i32
      %dma_wait3A_44 = tpu.memref_slice %arg4[%add3A, %dma_wait3A_42, %dma_wait3A_43] : memref<32x64x50xi32, #tpu.memory_space<hbm>> -> memref<1x64x50xi32, #tpu.memory_space<hbm>>
      %dma_wait3A_45 = tpu.memref_squeeze %dma_wait3A_44 : memref<1x64x50xi32, #tpu.memory_space<hbm>> -> memref<64x50xi32, #tpu.memory_space<hbm>>
      tpu.wait_dma2 semaphore(%run_scoped3A : memref<!tpu.dma_semaphore, #tpu.memory_space<semaphore_mem>>) src(%dma_wait3A_45 : memref<64x50xi32, #tpu.memory_space<hbm>>) dst(%arg6 : memref<64x50xi32, #tpu.memory_space<vmem>>)
      tpu.yield
    }) : () -> ()
    %dma_start3A = arith.constant 0 : i32
    %dma_start3A_3 = arith.constant 0 : i32
    %dma_start3A_4 = arith.constant 0 : i32
    %dma_start3A_5 = arith.constant 0 : i32
    %dma_start3A_6 = tpu.memref_slice %arg7[%dma_start3A_3, %dma_start3A_4, %dma_start3A_5] : memref<2x50x64xf32, #tpu.memory_space<vmem>> -> memref<1x50x64xf32, #tpu.memory_space<vmem>>
    %dma_start3A_7 = tpu.memref_squeeze %dma_start3A_6 : memref<1x50x64xf32, #tpu.memory_space<vmem>> -> memref<50x64xf32, #tpu.memory_space<vmem>>
    %dma_start3A_8 = arith.constant 0 : i32
    %dma_start3A_9 = tpu.memref_slice %arg6[%dma_start3A, %dma_start3A_8] : memref<64x50xi32, #tpu.memory_space<vmem>> -> memref<1x50xi32, #tpu.memory_space<vmem>>
    %dma_start3A_10 = tpu.memref_squeeze %dma_start3A_9 : memref<1x50xi32, #tpu.memory_space<vmem>> -> memref<50xi32, #tpu.memory_space<vmem>>
    %dma_start3A_11 = arith.constant 0 : i32
    %dma_start3A_12 = arith.constant 0 : i32
    %dma_start3A_13 = tpu.memref_slice %arg2[%dma_start3A_11, %dma_start3A_12] : memref<100000x64xf32, #tpu.memory_space<hbm>> -> memref<100000x64xf32, #tpu.memory_space<hbm>>
    tpu.enqueue_indirect_dma source(%dma_start3A_13 : memref<100000x64xf32, #tpu.memory_space<hbm>>) target(%dma_start3A_7 : memref<50x64xf32, #tpu.memory_space<vmem>>) offsets(%dma_start3A_10 : memref<50xi32, #tpu.memory_space<vmem>>) semaphore(%arg9 : memref<!tpu.dma_semaphore, #tpu.memory_space<semaphore_mem>>)
    %dma_start3A_14 = arith.constant 0 : i32
    %dma_start3A_15 = arith.constant 0 : i32
    %dma_start3A_16 = arith.constant 0 : i32
    %dma_start3A_17 = arith.constant 0 : i32
    %dma_start3A_18 = tpu.memref_slice %arg8[%dma_start3A_15, %dma_start3A_16, %dma_start3A_17] : memref<2x50x64xf32, #tpu.memory_space<vmem>> -> memref<1x50x64xf32, #tpu.memory_space<vmem>>
    %dma_start3A_19 = tpu.memref_squeeze %dma_start3A_18 : memref<1x50x64xf32, #tpu.memory_space<vmem>> -> memref<50x64xf32, #tpu.memory_space<vmem>>
    %dma_start3A_20 = arith.constant 0 : i32
    %dma_start3A_21 = tpu.memref_slice %arg6[%dma_start3A_14, %dma_start3A_20] : memref<64x50xi32, #tpu.memory_space<vmem>> -> memref<1x50xi32, #tpu.memory_space<vmem>>
    %dma_start3A_22 = tpu.memref_squeeze %dma_start3A_21 : memref<1x50xi32, #tpu.memory_space<vmem>> -> memref<50xi32, #tpu.memory_space<vmem>>
    %dma_start3A_23 = arith.constant 0 : i32
    %dma_start3A_24 = arith.constant 0 : i32
    %dma_start3A_25 = tpu.memref_slice %arg3[%dma_start3A_23, %dma_start3A_24] : memref<100000x64xf32, #tpu.memory_space<hbm>> -> memref<100000x64xf32, #tpu.memory_space<hbm>>
    tpu.enqueue_indirect_dma source(%dma_start3A_25 : memref<100000x64xf32, #tpu.memory_space<hbm>>) target(%dma_start3A_19 : memref<50x64xf32, #tpu.memory_space<vmem>>) offsets(%dma_start3A_22 : memref<50xi32, #tpu.memory_space<vmem>>) semaphore(%arg11 : memref<!tpu.dma_semaphore, #tpu.memory_space<semaphore_mem>>)
    %scan3A = arith.constant 0 : i32
    %scan3A_26 = arith.constant 0 : i32
    %scan3A_27 = arith.constant 32 : i32
    %scan3A_28 = arith.addi %scan3A_26, %scan3A_27 : i32
    %scan3A_29 = arith.constant 1 : i32
    scf.for %scan3A_31 = %scan3A_26 to %scan3A_28 step %scan3A_29  : i32 {
      %mul3A_32 = arith.constant 2 : i32
      %mul3A_33 = arith.muli %mul3A_32, %scan3A_31 : i32
      %add3A_34 = arith.constant 1 : i32
      %add3A_35 = arith.addi %mul3A_33, %add3A_34 : i32
      %dma_start3A_36 = arith.constant 1 : i32
      %dma_start3A_37 = arith.constant 0 : i32
      %dma_start3A_38 = arith.constant 0 : i32
      %dma_start3A_39 = tpu.memref_slice %arg7[%dma_start3A_36, %dma_start3A_37, %dma_start3A_38] : memref<2x50x64xf32, #tpu.memory_space<vmem>> -> memref<1x50x64xf32, #tpu.memory_space<vmem>>
      %dma_start3A_40 = tpu.memref_squeeze %dma_start3A_39 : memref<1x50x64xf32, #tpu.memory_space<vmem>> -> memref<50x64xf32, #tpu.memory_space<vmem>>
      %dma_start3A_41 = arith.constant 0 : i32
      %dma_start3A_42 = tpu.memref_slice %arg6[%add3A_35, %dma_start3A_41] : memref<64x50xi32, #tpu.memory_space<vmem>> -> memref<1x50xi32, #tpu.memory_space<vmem>>
      %dma_start3A_43 = tpu.memref_squeeze %dma_start3A_42 : memref<1x50xi32, #tpu.memory_space<vmem>> -> memref<50xi32, #tpu.memory_space<vmem>>
      %dma_start3A_44 = arith.constant 0 : i32
      %dma_start3A_45 = arith.constant 0 : i32
      %dma_start3A_46 = tpu.memref_slice %arg2[%dma_start3A_44, %dma_start3A_45] : memref<100000x64xf32, #tpu.memory_space<hbm>> -> memref<100000x64xf32, #tpu.memory_space<hbm>>
      tpu.enqueue_indirect_dma source(%dma_start3A_46 : memref<100000x64xf32, #tpu.memory_space<hbm>>) target(%dma_start3A_40 : memref<50x64xf32, #tpu.memory_space<vmem>>) offsets(%dma_start3A_43 : memref<50xi32, #tpu.memory_space<vmem>>) semaphore(%arg10 : memref<!tpu.dma_semaphore, #tpu.memory_space<semaphore_mem>>)
      %dma_start3A_47 = arith.constant 1 : i32
      %dma_start3A_48 = arith.constant 0 : i32
      %dma_start3A_49 = arith.constant 0 : i32
      %dma_start3A_50 = tpu.memref_slice %arg8[%dma_start3A_47, %dma_start3A_48, %dma_start3A_49] : memref<2x50x64xf32, #tpu.memory_space<vmem>> -> memref<1x50x64xf32, #tpu.memory_space<vmem>>
      %dma_start3A_51 = tpu.memref_squeeze %dma_start3A_50 : memref<1x50x64xf32, #tpu.memory_space<vmem>> -> memref<50x64xf32, #tpu.memory_space<vmem>>
      %dma_start3A_52 = arith.constant 0 : i32
      %dma_start3A_53 = tpu.memref_slice %arg6[%add3A_35, %dma_start3A_52] : memref<64x50xi32, #tpu.memory_space<vmem>> -> memref<1x50xi32, #tpu.memory_space<vmem>>
      %dma_start3A_54 = tpu.memref_squeeze %dma_start3A_53 : memref<1x50xi32, #tpu.memory_space<vmem>> -> memref<50xi32, #tpu.memory_space<vmem>>
      %dma_start3A_55 = arith.constant 0 : i32
      %dma_start3A_56 = arith.constant 0 : i32
      %dma_start3A_57 = tpu.memref_slice %arg3[%dma_start3A_55, %dma_start3A_56] : memref<100000x64xf32, #tpu.memory_space<hbm>> -> memref<100000x64xf32, #tpu.memory_space<hbm>>
      tpu.enqueue_indirect_dma source(%dma_start3A_57 : memref<100000x64xf32, #tpu.memory_space<hbm>>) target(%dma_start3A_51 : memref<50x64xf32, #tpu.memory_space<vmem>>) offsets(%dma_start3A_54 : memref<50xi32, #tpu.memory_space<vmem>>) semaphore(%arg12 : memref<!tpu.dma_semaphore, #tpu.memory_space<semaphore_mem>>)
      %dma_wait3A = arith.constant 0 : i32
      %dma_wait3A_58 = arith.constant 0 : i32
      %dma_wait3A_59 = arith.constant 0 : i32
      %dma_wait3A_60 = tpu.memref_slice %arg7[%dma_wait3A, %dma_wait3A_58, %dma_wait3A_59] : memref<2x50x64xf32, #tpu.memory_space<vmem>> -> memref<1x50x64xf32, #tpu.memory_space<vmem>>
      %dma_wait3A_61 = tpu.memref_squeeze %dma_wait3A_60 : memref<1x50x64xf32, #tpu.memory_space<vmem>> -> memref<50x64xf32, #tpu.memory_space<vmem>>
      %dma_wait3A_62 = arith.constant 0 : i32
      %dma_wait3A_63 = tpu.memref_slice %arg6[%mul3A_33, %dma_wait3A_62] : memref<64x50xi32, #tpu.memory_space<vmem>> -> memref<1x50xi32, #tpu.memory_space<vmem>>
      %dma_wait3A_64 = tpu.memref_squeeze %dma_wait3A_63 : memref<1x50xi32, #tpu.memory_space<vmem>> -> memref<50xi32, #tpu.memory_space<vmem>>
      %dma_wait3A_65 = arith.constant 0 : i32
      %dma_wait3A_66 = arith.constant 0 : i32
      %dma_wait3A_67 = tpu.memref_slice %arg2[%dma_wait3A_65, %dma_wait3A_66] : memref<100000x64xf32, #tpu.memory_space<hbm>> -> memref<100000x64xf32, #tpu.memory_space<hbm>>
      tpu.wait_indirect_dma semaphore(%arg9 : memref<!tpu.dma_semaphore, #tpu.memory_space<semaphore_mem>>) src(%dma_wait3A_67 : memref<100000x64xf32, #tpu.memory_space<hbm>>) dst(%dma_wait3A_61 : memref<50x64xf32, #tpu.memory_space<vmem>>)
      %dma_wait3A_68 = arith.constant 0 : i32
      %dma_wait3A_69 = arith.constant 0 : i32
      %dma_wait3A_70 = arith.constant 0 : i32
      %dma_wait3A_71 = tpu.memref_slice %arg8[%dma_wait3A_68, %dma_wait3A_69, %dma_wait3A_70] : memref<2x50x64xf32, #tpu.memory_space<vmem>> -> memref<1x50x64xf32, #tpu.memory_space<vmem>>
      %dma_wait3A_72 = tpu.memref_squeeze %dma_wait3A_71 : memref<1x50x64xf32, #tpu.memory_space<vmem>> -> memref<50x64xf32, #tpu.memory_space<vmem>>
      %dma_wait3A_73 = arith.constant 0 : i32
      %dma_wait3A_74 = tpu.memref_slice %arg6[%mul3A_33, %dma_wait3A_73] : memref<64x50xi32, #tpu.memory_space<vmem>> -> memref<1x50xi32, #tpu.memory_space<vmem>>
      %dma_wait3A_75 = tpu.memref_squeeze %dma_wait3A_74 : memref<1x50xi32, #tpu.memory_space<vmem>> -> memref<50xi32, #tpu.memory_space<vmem>>
      %dma_wait3A_76 = arith.constant 0 : i32
      %dma_wait3A_77 = arith.constant 0 : i32
      %dma_wait3A_78 = tpu.memref_slice %arg3[%dma_wait3A_76, %dma_wait3A_77] : memref<100000x64xf32, #tpu.memory_space<hbm>> -> memref<100000x64xf32, #tpu.memory_space<hbm>>
      tpu.wait_indirect_dma semaphore(%arg11 : memref<!tpu.dma_semaphore, #tpu.memory_space<semaphore_mem>>) src(%dma_wait3A_78 : memref<100000x64xf32, #tpu.memory_space<hbm>>) dst(%dma_wait3A_72 : memref<50x64xf32, #tpu.memory_space<vmem>>)
      %add3A_79 = arith.addi %mul3A_2, %mul3A_33 : i32
      %run_scoped3A = arith.constant 0 : i32
      "tpu.region"() ({
        %run_scoped3A_114 = tpu.sem_alloc : memref<!tpu.dma_semaphore, #tpu.memory_space<semaphore_mem>>
        %dma_start3A_115 = arith.constant 0 : i32
        %dma_start3A_116 = arith.constant 0 : i32
        %dma_start3A_117 = tpu.memref_slice %arg7[%run_scoped3A, %dma_start3A_115, %dma_start3A_116] : memref<2x50x64xf32, #tpu.memory_space<vmem>> -> memref<1x50x64xf32, #tpu.memory_space<vmem>>
        %dma_start3A_118 = tpu.memref_squeeze %dma_start3A_117 : memref<1x50x64xf32, #tpu.memory_space<vmem>> -> memref<50x64xf32, #tpu.memory_space<vmem>>
        %dma_start3A_119 = arith.constant 0 : i32
        %dma_start3A_120 = arith.constant 0 : i32
        %dma_start3A_121 = tpu.memref_slice %arg5[%add3A_79, %dma_start3A_119, %dma_start3A_120] : memref<2048x50x128xf32, #tpu.memory_space<hbm>> -> memref<1x50x64xf32, #tpu.memory_space<hbm>>
        %dma_start3A_122 = tpu.memref_squeeze %dma_start3A_121 : memref<1x50x64xf32, #tpu.memory_space<hbm>> -> memref<50x64xf32, #tpu.memory_space<hbm>>
        %dma_start3A_123 = arith.constant 0 : i32
        %dma_start3A_124 = arith.constant 0 : i32
        %dma_start3A_125 = tpu.memref_slice %arg5[%add3A_79, %dma_start3A_123, %dma_start3A_124] : memref<2048x50x128xf32, #tpu.memory_space<hbm>> -> memref<1x50x64xf32, #tpu.memory_space<hbm>>
        %dma_start3A_126 = tpu.memref_squeeze %dma_start3A_125 : memref<1x50x64xf32, #tpu.memory_space<hbm>> -> memref<50x64xf32, #tpu.memory_space<hbm>>
        %dma_start3A_127 = arith.constant 0 : i32
        %dma_start3A_128 = arith.constant 0 : i32
        %dma_start3A_129 = tpu.memref_slice %arg7[%run_scoped3A, %dma_start3A_127, %dma_start3A_128] : memref<2x50x64xf32, #tpu.memory_space<vmem>> -> memref<1x50x64xf32, #tpu.memory_space<vmem>>
        %dma_start3A_130 = tpu.memref_squeeze %dma_start3A_129 : memref<1x50x64xf32, #tpu.memory_space<vmem>> -> memref<50x64xf32, #tpu.memory_space<vmem>>
        tpu.enqueue_dma source(%dma_start3A_130 : memref<50x64xf32, #tpu.memory_space<vmem>>) target(%dma_start3A_126 : memref<50x64xf32, #tpu.memory_space<hbm>>) target_semaphore(%run_scoped3A_114 : memref<!tpu.dma_semaphore, #tpu.memory_space<semaphore_mem>>)
        %dma_wait3A_131 = arith.constant 0 : i32
        %dma_wait3A_132 = arith.constant 0 : i32
        %dma_wait3A_133 = tpu.memref_slice %arg7[%run_scoped3A, %dma_wait3A_131, %dma_wait3A_132] : memref<2x50x64xf32, #tpu.memory_space<vmem>> -> memref<1x50x64xf32, #tpu.memory_space<vmem>>
        %dma_wait3A_134 = tpu.memref_squeeze %dma_wait3A_133 : memref<1x50x64xf32, #tpu.memory_space<vmem>> -> memref<50x64xf32, #tpu.memory_space<vmem>>
        %dma_wait3A_135 = arith.constant 0 : i32
        %dma_wait3A_136 = arith.constant 0 : i32
        %dma_wait3A_137 = tpu.memref_slice %arg5[%add3A_79, %dma_wait3A_135, %dma_wait3A_136] : memref<2048x50x128xf32, #tpu.memory_space<hbm>> -> memref<1x50x64xf32, #tpu.memory_space<hbm>>
        %dma_wait3A_138 = tpu.memref_squeeze %dma_wait3A_137 : memref<1x50x64xf32, #tpu.memory_space<hbm>> -> memref<50x64xf32, #tpu.memory_space<hbm>>
        %dma_wait3A_139 = arith.constant 0 : i32
        %dma_wait3A_140 = arith.constant 0 : i32
        %dma_wait3A_141 = tpu.memref_slice %arg5[%add3A_79, %dma_wait3A_139, %dma_wait3A_140] : memref<2048x50x128xf32, #tpu.memory_space<hbm>> -> memref<1x50x64xf32, #tpu.memory_space<hbm>>
        %dma_wait3A_142 = tpu.memref_squeeze %dma_wait3A_141 : memref<1x50x64xf32, #tpu.memory_space<hbm>> -> memref<50x64xf32, #tpu.memory_space<hbm>>
        %dma_wait3A_143 = arith.constant 0 : i32
        %dma_wait3A_144 = arith.constant 0 : i32
        %dma_wait3A_145 = tpu.memref_slice %arg7[%run_scoped3A, %dma_wait3A_143, %dma_wait3A_144] : memref<2x50x64xf32, #tpu.memory_space<vmem>> -> memref<1x50x64xf32, #tpu.memory_space<vmem>>
        %dma_wait3A_146 = tpu.memref_squeeze %dma_wait3A_145 : memref<1x50x64xf32, #tpu.memory_space<vmem>> -> memref<50x64xf32, #tpu.memory_space<vmem>>
        tpu.wait_dma2 semaphore(%run_scoped3A_114 : memref<!tpu.dma_semaphore, #tpu.memory_space<semaphore_mem>>) src(%dma_wait3A_146 : memref<50x64xf32, #tpu.memory_space<vmem>>) dst(%dma_wait3A_142 : memref<50x64xf32, #tpu.memory_space<hbm>>)
        tpu.yield
      }) : () -> ()
      %add3A_80 = arith.addi %mul3A_2, %mul3A_33 : i32
      %run_scoped3A_81 = arith.constant 0 : i32
      "tpu.region"() ({
        %run_scoped3A_114 = tpu.sem_alloc : memref<!tpu.dma_semaphore, #tpu.memory_space<semaphore_mem>>
        %dma_start3A_115 = arith.constant 0 : i32
        %dma_start3A_116 = arith.constant 0 : i32
        %dma_start3A_117 = tpu.memref_slice %arg8[%run_scoped3A_81, %dma_start3A_115, %dma_start3A_116] : memref<2x50x64xf32, #tpu.memory_space<vmem>> -> memref<1x50x64xf32, #tpu.memory_space<vmem>>
        %dma_start3A_118 = tpu.memref_squeeze %dma_start3A_117 : memref<1x50x64xf32, #tpu.memory_space<vmem>> -> memref<50x64xf32, #tpu.memory_space<vmem>>
        %dma_start3A_119 = arith.constant 0 : i32
        %dma_start3A_120 = arith.constant 64 : i32
        %dma_start3A_121 = tpu.memref_slice %arg5[%add3A_80, %dma_start3A_119, %dma_start3A_120] : memref<2048x50x128xf32, #tpu.memory_space<hbm>> -> memref<1x50x64xf32, #tpu.memory_space<hbm>>
        %dma_start3A_122 = tpu.memref_squeeze %dma_start3A_121 : memref<1x50x64xf32, #tpu.memory_space<hbm>> -> memref<50x64xf32, #tpu.memory_space<hbm>>
        %dma_start3A_123 = arith.constant 0 : i32
        %dma_start3A_124 = arith.constant 64 : i32
        %dma_start3A_125 = tpu.memref_slice %arg5[%add3A_80, %dma_start3A_123, %dma_start3A_124] : memref<2048x50x128xf32, #tpu.memory_space<hbm>> -> memref<1x50x64xf32, #tpu.memory_space<hbm>>
        %dma_start3A_126 = tpu.memref_squeeze %dma_start3A_125 : memref<1x50x64xf32, #tpu.memory_space<hbm>> -> memref<50x64xf32, #tpu.memory_space<hbm>>
        %dma_start3A_127 = arith.constant 0 : i32
        %dma_start3A_128 = arith.constant 0 : i32
        %dma_start3A_129 = tpu.memref_slice %arg8[%run_scoped3A_81, %dma_start3A_127, %dma_start3A_128] : memref<2x50x64xf32, #tpu.memory_space<vmem>> -> memref<1x50x64xf32, #tpu.memory_space<vmem>>
        %dma_start3A_130 = tpu.memref_squeeze %dma_start3A_129 : memref<1x50x64xf32, #tpu.memory_space<vmem>> -> memref<50x64xf32, #tpu.memory_space<vmem>>
        tpu.enqueue_dma source(%dma_start3A_130 : memref<50x64xf32, #tpu.memory_space<vmem>>) target(%dma_start3A_126 : memref<50x64xf32, #tpu.memory_space<hbm>>) target_semaphore(%run_scoped3A_114 : memref<!tpu.dma_semaphore, #tpu.memory_space<semaphore_mem>>)
        %dma_wait3A_131 = arith.constant 0 : i32
        %dma_wait3A_132 = arith.constant 0 : i32
        %dma_wait3A_133 = tpu.memref_slice %arg8[%run_scoped3A_81, %dma_wait3A_131, %dma_wait3A_132] : memref<2x50x64xf32, #tpu.memory_space<vmem>> -> memref<1x50x64xf32, #tpu.memory_space<vmem>>
        %dma_wait3A_134 = tpu.memref_squeeze %dma_wait3A_133 : memref<1x50x64xf32, #tpu.memory_space<vmem>> -> memref<50x64xf32, #tpu.memory_space<vmem>>
        %dma_wait3A_135 = arith.constant 0 : i32
        %dma_wait3A_136 = arith.constant 64 : i32
        %dma_wait3A_137 = tpu.memref_slice %arg5[%add3A_80, %dma_wait3A_135, %dma_wait3A_136] : memref<2048x50x128xf32, #tpu.memory_space<hbm>> -> memref<1x50x64xf32, #tpu.memory_space<hbm>>
        %dma_wait3A_138 = tpu.memref_squeeze %dma_wait3A_137 : memref<1x50x64xf32, #tpu.memory_space<hbm>> -> memref<50x64xf32, #tpu.memory_space<hbm>>
        %dma_wait3A_139 = arith.constant 0 : i32
        %dma_wait3A_140 = arith.constant 64 : i32
        %dma_wait3A_141 = tpu.memref_slice %arg5[%add3A_80, %dma_wait3A_139, %dma_wait3A_140] : memref<2048x50x128xf32, #tpu.memory_space<hbm>> -> memref<1x50x64xf32, #tpu.memory_space<hbm>>
        %dma_wait3A_142 = tpu.memref_squeeze %dma_wait3A_141 : memref<1x50x64xf32, #tpu.memory_space<hbm>> -> memref<50x64xf32, #tpu.memory_space<hbm>>
        %dma_wait3A_143 = arith.constant 0 : i32
        %dma_wait3A_144 = arith.constant 0 : i32
        %dma_wait3A_145 = tpu.memref_slice %arg8[%run_scoped3A_81, %dma_wait3A_143, %dma_wait3A_144] : memref<2x50x64xf32, #tpu.memory_space<vmem>> -> memref<1x50x64xf32, #tpu.memory_space<vmem>>
        %dma_wait3A_146 = tpu.memref_squeeze %dma_wait3A_145 : memref<1x50x64xf32, #tpu.memory_space<vmem>> -> memref<50x64xf32, #tpu.memory_space<vmem>>
        tpu.wait_dma2 semaphore(%run_scoped3A_114 : memref<!tpu.dma_semaphore, #tpu.memory_space<semaphore_mem>>) src(%dma_wait3A_146 : memref<50x64xf32, #tpu.memory_space<vmem>>) dst(%dma_wait3A_142 : memref<50x64xf32, #tpu.memory_space<hbm>>)
        tpu.yield
      }) : () -> ()
      %add3A_82 = arith.constant 2 : i32
      %add3A_83 = arith.addi %mul3A_33, %add3A_82 : i32
      %lt3A = arith.constant 64 : i32
      %lt3A_84 = arith.cmpi slt, %add3A_83, %lt3A : i32
      %convert_element_type3A = arith.extui %lt3A_84 : i1 to i32
      %cond3A = arith.constant 0 : i32
      %cond3A_85 = arith.cmpi ne, %convert_element_type3A, %cond3A : i32
      scf.if %cond3A_85 {
        %add3A_114 = arith.constant 2 : i32
        %add3A_115 = arith.addi %mul3A_33, %add3A_114 : i32
        %dma_start3A_116 = arith.constant 0 : i32
        %dma_start3A_117 = arith.constant 0 : i32
        %dma_start3A_118 = arith.constant 0 : i32
        %dma_start3A_119 = tpu.memref_slice %arg7[%dma_start3A_116, %dma_start3A_117, %dma_start3A_118] : memref<2x50x64xf32, #tpu.memory_space<vmem>> -> memref<1x50x64xf32, #tpu.memory_space<vmem>>
        %dma_start3A_120 = tpu.memref_squeeze %dma_start3A_119 : memref<1x50x64xf32, #tpu.memory_space<vmem>> -> memref<50x64xf32, #tpu.memory_space<vmem>>
        %dma_start3A_121 = arith.constant 0 : i32
        %dma_start3A_122 = tpu.memref_slice %arg6[%add3A_115, %dma_start3A_121] : memref<64x50xi32, #tpu.memory_space<vmem>> -> memref<1x50xi32, #tpu.memory_space<vmem>>
        %dma_start3A_123 = tpu.memref_squeeze %dma_start3A_122 : memref<1x50xi32, #tpu.memory_space<vmem>> -> memref<50xi32, #tpu.memory_space<vmem>>
        %dma_start3A_124 = arith.constant 0 : i32
        %dma_start3A_125 = arith.constant 0 : i32
        %dma_start3A_126 = tpu.memref_slice %arg2[%dma_start3A_124, %dma_start3A_125] : memref<100000x64xf32, #tpu.memory_space<hbm>> -> memref<100000x64xf32, #tpu.memory_space<hbm>>
        tpu.enqueue_indirect_dma source(%dma_start3A_126 : memref<100000x64xf32, #tpu.memory_space<hbm>>) target(%dma_start3A_120 : memref<50x64xf32, #tpu.memory_space<vmem>>) offsets(%dma_start3A_123 : memref<50xi32, #tpu.memory_space<vmem>>) semaphore(%arg9 : memref<!tpu.dma_semaphore, #tpu.memory_space<semaphore_mem>>)
        %dma_start3A_127 = arith.constant 0 : i32
        %dma_start3A_128 = arith.constant 0 : i32
        %dma_start3A_129 = arith.constant 0 : i32
        %dma_start3A_130 = tpu.memref_slice %arg8[%dma_start3A_127, %dma_start3A_128, %dma_start3A_129] : memref<2x50x64xf32, #tpu.memory_space<vmem>> -> memref<1x50x64xf32, #tpu.memory_space<vmem>>
        %dma_start3A_131 = tpu.memref_squeeze %dma_start3A_130 : memref<1x50x64xf32, #tpu.memory_space<vmem>> -> memref<50x64xf32, #tpu.memory_space<vmem>>
        %dma_start3A_132 = arith.constant 0 : i32
        %dma_start3A_133 = tpu.memref_slice %arg6[%add3A_115, %dma_start3A_132] : memref<64x50xi32, #tpu.memory_space<vmem>> -> memref<1x50xi32, #tpu.memory_space<vmem>>
        %dma_start3A_134 = tpu.memref_squeeze %dma_start3A_133 : memref<1x50xi32, #tpu.memory_space<vmem>> -> memref<50xi32, #tpu.memory_space<vmem>>
        %dma_start3A_135 = arith.constant 0 : i32
        %dma_start3A_136 = arith.constant 0 : i32
        %dma_start3A_137 = tpu.memref_slice %arg3[%dma_start3A_135, %dma_start3A_136] : memref<100000x64xf32, #tpu.memory_space<hbm>> -> memref<100000x64xf32, #tpu.memory_space<hbm>>
        tpu.enqueue_indirect_dma source(%dma_start3A_137 : memref<100000x64xf32, #tpu.memory_space<hbm>>) target(%dma_start3A_131 : memref<50x64xf32, #tpu.memory_space<vmem>>) offsets(%dma_start3A_134 : memref<50xi32, #tpu.memory_space<vmem>>) semaphore(%arg11 : memref<!tpu.dma_semaphore, #tpu.memory_space<semaphore_mem>>)
      } else {
      }
      %add3A_86 = arith.constant 1 : i32
      %add3A_87 = arith.addi %mul3A_33, %add3A_86 : i32
      %dma_wait3A_88 = arith.constant 1 : i32
      %dma_wait3A_89 = arith.constant 0 : i32
      %dma_wait3A_90 = arith.constant 0 : i32
      %dma_wait3A_91 = tpu.memref_slice %arg7[%dma_wait3A_88, %dma_wait3A_89, %dma_wait3A_90] : memref<2x50x64xf32, #tpu.memory_space<vmem>> -> memref<1x50x64xf32, #tpu.memory_space<vmem>>
      %dma_wait3A_92 = tpu.memref_squeeze %dma_wait3A_91 : memref<1x50x64xf32, #tpu.memory_space<vmem>> -> memref<50x64xf32, #tpu.memory_space<vmem>>
      %dma_wait3A_93 = arith.constant 0 : i32
      %dma_wait3A_94 = tpu.memref_slice %arg6[%add3A_87, %dma_wait3A_93] : memref<64x50xi32, #tpu.memory_space<vmem>> -> memref<1x50xi32, #tpu.memory_space<vmem>>
      %dma_wait3A_95 = tpu.memref_squeeze %dma_wait3A_94 : memref<1x50xi32, #tpu.memory_space<vmem>> -> memref<50xi32, #tpu.memory_space<vmem>>
      %dma_wait3A_96 = arith.constant 0 : i32
      %dma_wait3A_97 = arith.constant 0 : i32
      %dma_wait3A_98 = tpu.memref_slice %arg2[%dma_wait3A_96, %dma_wait3A_97] : memref<100000x64xf32, #tpu.memory_space<hbm>> -> memref<100000x64xf32, #tpu.memory_space<hbm>>
      tpu.wait_indirect_dma semaphore(%arg10 : memref<!tpu.dma_semaphore, #tpu.memory_space<semaphore_mem>>) src(%dma_wait3A_98 : memref<100000x64xf32, #tpu.memory_space<hbm>>) dst(%dma_wait3A_92 : memref<50x64xf32, #tpu.memory_space<vmem>>)
      %dma_wait3A_99 = arith.constant 1 : i32
      %dma_wait3A_100 = arith.constant 0 : i32
      %dma_wait3A_101 = arith.constant 0 : i32
      %dma_wait3A_102 = tpu.memref_slice %arg8[%dma_wait3A_99, %dma_wait3A_100, %dma_wait3A_101] : memref<2x50x64xf32, #tpu.memory_space<vmem>> -> memref<1x50x64xf32, #tpu.memory_space<vmem>>
      %dma_wait3A_103 = tpu.memref_squeeze %dma_wait3A_102 : memref<1x50x64xf32, #tpu.memory_space<vmem>> -> memref<50x64xf32, #tpu.memory_space<vmem>>
      %dma_wait3A_104 = arith.constant 0 : i32
      %dma_wait3A_105 = tpu.memref_slice %arg6[%add3A_87, %dma_wait3A_104] : memref<64x50xi32, #tpu.memory_space<vmem>> -> memref<1x50xi32, #tpu.memory_space<vmem>>
      %dma_wait3A_106 = tpu.memref_squeeze %dma_wait3A_105 : memref<1x50xi32, #tpu.memory_space<vmem>> -> memref<50xi32, #tpu.memory_space<vmem>>
      %dma_wait3A_107 = arith.constant 0 : i32
      %dma_wait3A_108 = arith.constant 0 : i32
      %dma_wait3A_109 = tpu.memref_slice %arg3[%dma_wait3A_107, %dma_wait3A_108] : memref<100000x64xf32, #tpu.memory_space<hbm>> -> memref<100000x64xf32, #tpu.memory_space<hbm>>
      tpu.wait_indirect_dma semaphore(%arg12 : memref<!tpu.dma_semaphore, #tpu.memory_space<semaphore_mem>>) src(%dma_wait3A_109 : memref<100000x64xf32, #tpu.memory_space<hbm>>) dst(%dma_wait3A_103 : memref<50x64xf32, #tpu.memory_space<vmem>>)
      %add3A_110 = arith.addi %mul3A_2, %add3A_87 : i32
      %run_scoped3A_111 = arith.constant 1 : i32
      "tpu.region"() ({
        %run_scoped3A_114 = tpu.sem_alloc : memref<!tpu.dma_semaphore, #tpu.memory_space<semaphore_mem>>
        %dma_start3A_115 = arith.constant 0 : i32
        %dma_start3A_116 = arith.constant 0 : i32
        %dma_start3A_117 = tpu.memref_slice %arg7[%run_scoped3A_111, %dma_start3A_115, %dma_start3A_116] : memref<2x50x64xf32, #tpu.memory_space<vmem>> -> memref<1x50x64xf32, #tpu.memory_space<vmem>>
        %dma_start3A_118 = tpu.memref_squeeze %dma_start3A_117 : memref<1x50x64xf32, #tpu.memory_space<vmem>> -> memref<50x64xf32, #tpu.memory_space<vmem>>
        %dma_start3A_119 = arith.constant 0 : i32
        %dma_start3A_120 = arith.constant 0 : i32
        %dma_start3A_121 = tpu.memref_slice %arg5[%add3A_110, %dma_start3A_119, %dma_start3A_120] : memref<2048x50x128xf32, #tpu.memory_space<hbm>> -> memref<1x50x64xf32, #tpu.memory_space<hbm>>
        %dma_start3A_122 = tpu.memref_squeeze %dma_start3A_121 : memref<1x50x64xf32, #tpu.memory_space<hbm>> -> memref<50x64xf32, #tpu.memory_space<hbm>>
        %dma_start3A_123 = arith.constant 0 : i32
        %dma_start3A_124 = arith.constant 0 : i32
        %dma_start3A_125 = tpu.memref_slice %arg5[%add3A_110, %dma_start3A_123, %dma_start3A_124] : memref<2048x50x128xf32, #tpu.memory_space<hbm>> -> memref<1x50x64xf32, #tpu.memory_space<hbm>>
        %dma_start3A_126 = tpu.memref_squeeze %dma_start3A_125 : memref<1x50x64xf32, #tpu.memory_space<hbm>> -> memref<50x64xf32, #tpu.memory_space<hbm>>
        %dma_start3A_127 = arith.constant 0 : i32
        %dma_start3A_128 = arith.constant 0 : i32
        %dma_start3A_129 = tpu.memref_slice %arg7[%run_scoped3A_111, %dma_start3A_127, %dma_start3A_128] : memref<2x50x64xf32, #tpu.memory_space<vmem>> -> memref<1x50x64xf32, #tpu.memory_space<vmem>>
        %dma_start3A_130 = tpu.memref_squeeze %dma_start3A_129 : memref<1x50x64xf32, #tpu.memory_space<vmem>> -> memref<50x64xf32, #tpu.memory_space<vmem>>
        tpu.enqueue_dma source(%dma_start3A_130 : memref<50x64xf32, #tpu.memory_space<vmem>>) target(%dma_start3A_126 : memref<50x64xf32, #tpu.memory_space<hbm>>) target_semaphore(%run_scoped3A_114 : memref<!tpu.dma_semaphore, #tpu.memory_space<semaphore_mem>>)
        %dma_wait3A_131 = arith.constant 0 : i32
        %dma_wait3A_132 = arith.constant 0 : i32
        %dma_wait3A_133 = tpu.memref_slice %arg7[%run_scoped3A_111, %dma_wait3A_131, %dma_wait3A_132] : memref<2x50x64xf32, #tpu.memory_space<vmem>> -> memref<1x50x64xf32, #tpu.memory_space<vmem>>
        %dma_wait3A_134 = tpu.memref_squeeze %dma_wait3A_133 : memref<1x50x64xf32, #tpu.memory_space<vmem>> -> memref<50x64xf32, #tpu.memory_space<vmem>>
        %dma_wait3A_135 = arith.constant 0 : i32
        %dma_wait3A_136 = arith.constant 0 : i32
        %dma_wait3A_137 = tpu.memref_slice %arg5[%add3A_110, %dma_wait3A_135, %dma_wait3A_136] : memref<2048x50x128xf32, #tpu.memory_space<hbm>> -> memref<1x50x64xf32, #tpu.memory_space<hbm>>
        %dma_wait3A_138 = tpu.memref_squeeze %dma_wait3A_137 : memref<1x50x64xf32, #tpu.memory_space<hbm>> -> memref<50x64xf32, #tpu.memory_space<hbm>>
        %dma_wait3A_139 = arith.constant 0 : i32
        %dma_wait3A_140 = arith.constant 0 : i32
        %dma_wait3A_141 = tpu.memref_slice %arg5[%add3A_110, %dma_wait3A_139, %dma_wait3A_140] : memref<2048x50x128xf32, #tpu.memory_space<hbm>> -> memref<1x50x64xf32, #tpu.memory_space<hbm>>
        %dma_wait3A_142 = tpu.memref_squeeze %dma_wait3A_141 : memref<1x50x64xf32, #tpu.memory_space<hbm>> -> memref<50x64xf32, #tpu.memory_space<hbm>>
        %dma_wait3A_143 = arith.constant 0 : i32
        %dma_wait3A_144 = arith.constant 0 : i32
        %dma_wait3A_145 = tpu.memref_slice %arg7[%run_scoped3A_111, %dma_wait3A_143, %dma_wait3A_144] : memref<2x50x64xf32, #tpu.memory_space<vmem>> -> memref<1x50x64xf32, #tpu.memory_space<vmem>>
        %dma_wait3A_146 = tpu.memref_squeeze %dma_wait3A_145 : memref<1x50x64xf32, #tpu.memory_space<vmem>> -> memref<50x64xf32, #tpu.memory_space<vmem>>
        tpu.wait_dma2 semaphore(%run_scoped3A_114 : memref<!tpu.dma_semaphore, #tpu.memory_space<semaphore_mem>>) src(%dma_wait3A_146 : memref<50x64xf32, #tpu.memory_space<vmem>>) dst(%dma_wait3A_142 : memref<50x64xf32, #tpu.memory_space<hbm>>)
        tpu.yield
      }) : () -> ()
      %add3A_112 = arith.addi %mul3A_2, %add3A_87 : i32
      %run_scoped3A_113 = arith.constant 1 : i32
      "tpu.region"() ({
        %run_scoped3A_114 = tpu.sem_alloc : memref<!tpu.dma_semaphore, #tpu.memory_space<semaphore_mem>>
        %dma_start3A_115 = arith.constant 0 : i32
        %dma_start3A_116 = arith.constant 0 : i32
        %dma_start3A_117 = tpu.memref_slice %arg8[%run_scoped3A_113, %dma_start3A_115, %dma_start3A_116] : memref<2x50x64xf32, #tpu.memory_space<vmem>> -> memref<1x50x64xf32, #tpu.memory_space<vmem>>
        %dma_start3A_118 = tpu.memref_squeeze %dma_start3A_117 : memref<1x50x64xf32, #tpu.memory_space<vmem>> -> memref<50x64xf32, #tpu.memory_space<vmem>>
        %dma_start3A_119 = arith.constant 0 : i32
        %dma_start3A_120 = arith.constant 64 : i32
        %dma_start3A_121 = tpu.memref_slice %arg5[%add3A_112, %dma_start3A_119, %dma_start3A_120] : memref<2048x50x128xf32, #tpu.memory_space<hbm>> -> memref<1x50x64xf32, #tpu.memory_space<hbm>>
        %dma_start3A_122 = tpu.memref_squeeze %dma_start3A_121 : memref<1x50x64xf32, #tpu.memory_space<hbm>> -> memref<50x64xf32, #tpu.memory_space<hbm>>
        %dma_start3A_123 = arith.constant 0 : i32
        %dma_start3A_124 = arith.constant 64 : i32
        %dma_start3A_125 = tpu.memref_slice %arg5[%add3A_112, %dma_start3A_123, %dma_start3A_124] : memref<2048x50x128xf32, #tpu.memory_space<hbm>> -> memref<1x50x64xf32, #tpu.memory_space<hbm>>
        %dma_start3A_126 = tpu.memref_squeeze %dma_start3A_125 : memref<1x50x64xf32, #tpu.memory_space<hbm>> -> memref<50x64xf32, #tpu.memory_space<hbm>>
        %dma_start3A_127 = arith.constant 0 : i32
        %dma_start3A_128 = arith.constant 0 : i32
        %dma_start3A_129 = tpu.memref_slice %arg8[%run_scoped3A_113, %dma_start3A_127, %dma_start3A_128] : memref<2x50x64xf32, #tpu.memory_space<vmem>> -> memref<1x50x64xf32, #tpu.memory_space<vmem>>
        %dma_start3A_130 = tpu.memref_squeeze %dma_start3A_129 : memref<1x50x64xf32, #tpu.memory_space<vmem>> -> memref<50x64xf32, #tpu.memory_space<vmem>>
        tpu.enqueue_dma source(%dma_start3A_130 : memref<50x64xf32, #tpu.memory_space<vmem>>) target(%dma_start3A_126 : memref<50x64xf32, #tpu.memory_space<hbm>>) target_semaphore(%run_scoped3A_114 : memref<!tpu.dma_semaphore, #tpu.memory_space<semaphore_mem>>)
        %dma_wait3A_131 = arith.constant 0 : i32
        %dma_wait3A_132 = arith.constant 0 : i32
        %dma_wait3A_133 = tpu.memref_slice %arg8[%run_scoped3A_113, %dma_wait3A_131, %dma_wait3A_132] : memref<2x50x64xf32, #tpu.memory_space<vmem>> -> memref<1x50x64xf32, #tpu.memory_space<vmem>>
        %dma_wait3A_134 = tpu.memref_squeeze %dma_wait3A_133 : memref<1x50x64xf32, #tpu.memory_space<vmem>> -> memref<50x64xf32, #tpu.memory_space<vmem>>
        %dma_wait3A_135 = arith.constant 0 : i32
        %dma_wait3A_136 = arith.constant 64 : i32
        %dma_wait3A_137 = tpu.memref_slice %arg5[%add3A_112, %dma_wait3A_135, %dma_wait3A_136] : memref<2048x50x128xf32, #tpu.memory_space<hbm>> -> memref<1x50x64xf32, #tpu.memory_space<hbm>>
        %dma_wait3A_138 = tpu.memref_squeeze %dma_wait3A_137 : memref<1x50x64xf32, #tpu.memory_space<hbm>> -> memref<50x64xf32, #tpu.memory_space<hbm>>
        %dma_wait3A_139 = arith.constant 0 : i32
        %dma_wait3A_140 = arith.constant 64 : i32
        %dma_wait3A_141 = tpu.memref_slice %arg5[%add3A_112, %dma_wait3A_139, %dma_wait3A_140] : memref<2048x50x128xf32, #tpu.memory_space<hbm>> -> memref<1x50x64xf32, #tpu.memory_space<hbm>>
        %dma_wait3A_142 = tpu.memref_squeeze %dma_wait3A_141 : memref<1x50x64xf32, #tpu.memory_space<hbm>> -> memref<50x64xf32, #tpu.memory_space<hbm>>
        %dma_wait3A_143 = arith.constant 0 : i32
        %dma_wait3A_144 = arith.constant 0 : i32
        %dma_wait3A_145 = tpu.memref_slice %arg8[%run_scoped3A_113, %dma_wait3A_143, %dma_wait3A_144] : memref<2x50x64xf32, #tpu.memory_space<vmem>> -> memref<1x50x64xf32, #tpu.memory_space<vmem>>
        %dma_wait3A_146 = tpu.memref_squeeze %dma_wait3A_145 : memref<1x50x64xf32, #tpu.memory_space<vmem>> -> memref<50x64xf32, #tpu.memory_space<vmem>>
        tpu.wait_dma2 semaphore(%run_scoped3A_114 : memref<!tpu.dma_semaphore, #tpu.memory_space<semaphore_mem>>) src(%dma_wait3A_146 : memref<50x64xf32, #tpu.memory_space<vmem>>) dst(%dma_wait3A_142 : memref<50x64xf32, #tpu.memory_space<hbm>>)
        tpu.yield
      }) : () -> ()
    }
    %scan3A_30 = arith.constant 32 : i32
    return
  }
}

module attributes {stable_mosaic.version = 14 : i64} {
  func.func @_rot_body(%arg0: i32, %arg1: memref<64x50x1xf32, #tpu.memory_space<vmem>>, %arg2: memref<1x1x64xf32, #tpu.memory_space<vmem>>, %arg3: memref<64x50x64xf32, #tpu.memory_space<vmem>>, %arg4: memref<64x50x64xf32, #tpu.memory_space<vmem>>, %arg5: memref<64x50x128xf32, #tpu.memory_space<vmem>>, %arg6: memref<64x50x64xf32, #tpu.memory_space<vmem>>, %arg7: memref<64x50x64xf32, #tpu.memory_space<vmem>>) attributes {dimension_semantics = [#tpu.dimension_semantics<arbitrary>], iteration_bounds = array<i64: 32>, scalar_prefetch = 0 : i64, scratch_operands = 0 : i64, tpu.core_type = #tpu.core_type<tc>, window_params = [{transform_indices = @transform_0, window_bounds = array<i64: 64, 50, 1>}, {pipeline_mode = #tpu.pipeline_mode<synchronous>, transform_indices = @transform_1, window_bounds = array<i64: 1, 1, 64>}, {transform_indices = @transform_2, window_bounds = array<i64: 64, 50, 64>}, {transform_indices = @transform_3, window_bounds = array<i64: 64, 50, 64>}, {transform_indices = @transform_4, window_bounds = array<i64: 64, 50, 128>}, {transform_indices = @transform_5, window_bounds = array<i64: 64, 50, 64>}, {transform_indices = @transform_6, window_bounds = array<i64: 64, 50, 64>}]} {
    %get3A = arith.constant 0 : index
    %get3A_0 = arith.constant 0 : index
    %get3A_1 = arith.constant 0 : index
    %get3A_2 = vector.load %arg1[%get3A, %get3A_0, %get3A_1] : memref<64x50x1xf32, #tpu.memory_space<vmem>>, vector<64x50x1xf32>
    %get3A_3 = arith.constant 0 : index
    %get3A_4 = arith.constant 0 : index
    %get3A_5 = arith.constant 0 : index
    %get3A_6 = vector.load %arg2[%get3A_3, %get3A_4, %get3A_5] : memref<1x1x64xf32, #tpu.memory_space<vmem>>, vector<1x1x64xf32>
    %get3A_7 = arith.constant 0 : index
    %get3A_8 = arith.constant 0 : index
    %get3A_9 = arith.constant 0 : index
    %get3A_10 = vector.load %arg3[%get3A_7, %get3A_8, %get3A_9] : memref<64x50x64xf32, #tpu.memory_space<vmem>>, vector<64x50x64xf32>
    %add3A = vector.broadcast %get3A_6 : vector<1x1x64xf32> to vector<64x50x64xf32>
    %add3A_11 = arith.addf %add3A, %get3A_10 : vector<64x50x64xf32>
    %mul3A = vector.broadcast %get3A_2 : vector<64x50x1xf32> to vector<64x50x64xf32>
    %mul3A_12 = arith.mulf %mul3A, %add3A_11 : vector<64x50x64xf32>
    %get3A_13 = arith.constant 0 : index
    %get3A_14 = arith.constant 0 : index
    %get3A_15 = arith.constant 0 : index
    %get3A_16 = vector.load %arg4[%get3A_13, %get3A_14, %get3A_15] : memref<64x50x64xf32, #tpu.memory_space<vmem>>, vector<64x50x64xf32>
    %add3A_17 = arith.addf %mul3A_12, %get3A_16 : vector<64x50x64xf32>
    %mul3A_18 = arith.constant 0.636619746 : f32
    %mul3A_19 = vector.broadcast %mul3A_18 : f32 to vector<64x50x64xf32>
    %mul3A_20 = arith.mulf %add3A_17, %mul3A_19 : vector<64x50x64xf32>
    %round3A = math.roundeven %mul3A_20 : vector<64x50x64xf32>
    %mul3A_21 = arith.constant 1.57079637 : f32
    %mul3A_22 = vector.broadcast %mul3A_21 : f32 to vector<64x50x64xf32>
    %mul3A_23 = arith.mulf %round3A, %mul3A_22 : vector<64x50x64xf32>
    %sub3A = arith.subf %add3A_17, %mul3A_23 : vector<64x50x64xf32>
    %mul3A_24 = arith.constant -4.37113883E-8 : f32
    %mul3A_25 = vector.broadcast %mul3A_24 : f32 to vector<64x50x64xf32>
    %mul3A_26 = arith.mulf %round3A, %mul3A_25 : vector<64x50x64xf32>
    %sub3A_27 = arith.subf %sub3A, %mul3A_26 : vector<64x50x64xf32>
    %mul3A_28 = arith.mulf %sub3A_27, %sub3A_27 : vector<64x50x64xf32>
    %mul3A_29 = arith.constant 0.00833216123 : f32
    %mul3A_30 = vector.broadcast %mul3A_29 : f32 to vector<64x50x64xf32>
    %mul3A_31 = arith.mulf %mul3A_28, %mul3A_30 : vector<64x50x64xf32>
    %add3A_32 = arith.constant -0.166666552 : f32
    %add3A_33 = vector.broadcast %add3A_32 : f32 to vector<64x50x64xf32>
    %add3A_34 = arith.addf %add3A_33, %mul3A_31 : vector<64x50x64xf32>
    %mul3A_35 = arith.mulf %mul3A_28, %add3A_34 : vector<64x50x64xf32>
    %add3A_36 = arith.constant 1.000000e+00 : f32
    %add3A_37 = vector.broadcast %add3A_36 : f32 to vector<64x50x64xf32>
    %add3A_38 = arith.addf %add3A_37, %mul3A_35 : vector<64x50x64xf32>
    %mul3A_39 = arith.mulf %sub3A_27, %add3A_38 : vector<64x50x64xf32>
    %mul3A_40 = arith.constant -0.00135850522 : f32
    %mul3A_41 = vector.broadcast %mul3A_40 : f32 to vector<64x50x64xf32>
    %mul3A_42 = arith.mulf %mul3A_28, %mul3A_41 : vector<64x50x64xf32>
    %add3A_43 = arith.constant 0.0416598544 : f32
    %add3A_44 = vector.broadcast %add3A_43 : f32 to vector<64x50x64xf32>
    %add3A_45 = arith.addf %add3A_44, %mul3A_42 : vector<64x50x64xf32>
    %mul3A_46 = arith.mulf %mul3A_28, %add3A_45 : vector<64x50x64xf32>
    %add3A_47 = arith.constant -0.49999997 : f32
    %add3A_48 = vector.broadcast %add3A_47 : f32 to vector<64x50x64xf32>
    %add3A_49 = arith.addf %add3A_48, %mul3A_46 : vector<64x50x64xf32>
    %mul3A_50 = arith.mulf %mul3A_28, %add3A_49 : vector<64x50x64xf32>
    %add3A_51 = arith.constant 1.000000e+00 : f32
    %add3A_52 = vector.broadcast %add3A_51 : f32 to vector<64x50x64xf32>
    %add3A_53 = arith.addf %add3A_52, %mul3A_50 : vector<64x50x64xf32>
    %convert_element_type3A = arith.fptosi %round3A : vector<64x50x64xf32> to vector<64x50x64xi32>
    %and3A = arith.constant 1 : i32
    %and3A_54 = vector.broadcast %and3A : i32 to vector<64x50x64xi32>
    %and3A_55 = arith.andi %convert_element_type3A, %and3A_54 : vector<64x50x64xi32>
    %ne3A = arith.constant 0 : i32
    %ne3A_56 = vector.broadcast %ne3A : i32 to vector<64x50x64xi32>
    %ne3A_57 = arith.cmpi ne, %and3A_55, %ne3A_56 : vector<64x50x64xi32>
    %and3A_58 = arith.constant 2 : i32
    %and3A_59 = vector.broadcast %and3A_58 : i32 to vector<64x50x64xi32>
    %and3A_60 = arith.andi %convert_element_type3A, %and3A_59 : vector<64x50x64xi32>
    %ne3A_61 = arith.constant 0 : i32
    %ne3A_62 = vector.broadcast %ne3A_61 : i32 to vector<64x50x64xi32>
    %ne3A_63 = arith.cmpi ne, %and3A_60, %ne3A_62 : vector<64x50x64xi32>
    %select_n3A = arith.select %ne3A_57, %add3A_53, %mul3A_39 : vector<64x50x64xi1>, vector<64x50x64xf32>
    %select_n3A_64 = arith.select %ne3A_57, %mul3A_39, %add3A_53 : vector<64x50x64xi1>, vector<64x50x64xf32>
    %neg3A = arith.constant 0.000000e+00 : f32
    %neg3A_65 = vector.broadcast %neg3A : f32 to vector<64x50x64xf32>
    %neg3A_66 = arith.subf %neg3A_65, %select_n3A : vector<64x50x64xf32>
    %select_n3A_67 = arith.select %ne3A_63, %neg3A_66, %select_n3A : vector<64x50x64xi1>, vector<64x50x64xf32>
    %ne3A_68 = arith.xori %ne3A_57, %ne3A_63 : vector<64x50x64xi1>
    %neg3A_69 = arith.constant 0.000000e+00 : f32
    %neg3A_70 = vector.broadcast %neg3A_69 : f32 to vector<64x50x64xf32>
    %neg3A_71 = arith.subf %neg3A_70, %select_n3A_64 : vector<64x50x64xf32>
    %select_n3A_72 = arith.select %ne3A_68, %neg3A_71, %select_n3A_64 : vector<64x50x64xi1>, vector<64x50x64xf32>
    %get3A_73 = arith.constant 0 : index
    %get3A_74 = arith.constant 0 : index
    %get3A_75 = arith.constant 0 : index
    %get3A_76 = vector.load %arg5[%get3A_73, %get3A_74, %get3A_75] : memref<64x50x128xf32, #tpu.memory_space<vmem>>, vector<64x50x64xf32>
    %get3A_77 = arith.constant 0 : index
    %get3A_78 = arith.constant 0 : index
    %get3A_79 = arith.constant 64 : index
    %get3A_80 = vector.load %arg5[%get3A_77, %get3A_78, %get3A_79] : memref<64x50x128xf32, #tpu.memory_space<vmem>>, vector<64x50x64xf32>
    %mul3A_81 = arith.mulf %get3A_76, %select_n3A_72 : vector<64x50x64xf32>
    %mul3A_82 = arith.mulf %get3A_80, %select_n3A_67 : vector<64x50x64xf32>
    %sub3A_83 = arith.subf %mul3A_81, %mul3A_82 : vector<64x50x64xf32>
    %swap3A = arith.constant 0 : index
    %swap3A_84 = arith.constant 0 : index
    %swap3A_85 = arith.constant 0 : index
    %swap3A_86 = vector.load %arg6[%swap3A, %swap3A_84, %swap3A_85] : memref<64x50x64xf32, #tpu.memory_space<vmem>>, vector<64x50x64xf32>
    tpu.vector_store %arg6[%swap3A, %swap3A_84, %swap3A_85], %sub3A_83 {strides = array<i32>} : memref<64x50x64xf32, #tpu.memory_space<vmem>>, vector<64x50x64xf32>,
    %mul3A_87 = arith.mulf %get3A_76, %select_n3A_67 : vector<64x50x64xf32>
    %mul3A_88 = arith.mulf %get3A_80, %select_n3A_72 : vector<64x50x64xf32>
    %add3A_89 = arith.addf %mul3A_87, %mul3A_88 : vector<64x50x64xf32>
    %swap3A_90 = arith.constant 0 : index
    %swap3A_91 = arith.constant 0 : index
    %swap3A_92 = arith.constant 0 : index
    %swap3A_93 = vector.load %arg7[%swap3A_90, %swap3A_91, %swap3A_92] : memref<64x50x64xf32, #tpu.memory_space<vmem>>, vector<64x50x64xf32>
    tpu.vector_store %arg7[%swap3A_90, %swap3A_91, %swap3A_92], %add3A_89 {strides = array<i32>} : memref<64x50x64xf32, #tpu.memory_space<vmem>>, vector<64x50x64xf32>,
    return
  }
  func.func @transform_0(%arg0: i32) -> (i32, i32, i32) {
    %add3A = arith.constant 0 : i32
    %add3A_0 = arith.addi %arg0, %add3A : i32
    %c0_i32 = arith.constant 0 : i32
    %c0_i32_1 = arith.constant 0 : i32
    %c0_i32_2 = arith.constant 0 : i32
    return %add3A_0, %c0_i32, %c0_i32_1 : i32, i32, i32
  }
  func.func @transform_1(%arg0: i32) -> (i32, i32, i32) {
    %c0_i32 = arith.constant 0 : i32
    %c0_i32_0 = arith.constant 0 : i32
    %c0_i32_1 = arith.constant 0 : i32
    %c0_i32_2 = arith.constant 0 : i32
    return %c0_i32, %c0_i32_0, %c0_i32_1 : i32, i32, i32
  }
  func.func @transform_2(%arg0: i32) -> (i32, i32, i32) {
    %add3A = arith.constant 0 : i32
    %add3A_0 = arith.addi %arg0, %add3A : i32
    %c0_i32 = arith.constant 0 : i32
    %c0_i32_1 = arith.constant 0 : i32
    %c0_i32_2 = arith.constant 0 : i32
    return %add3A_0, %c0_i32, %c0_i32_1 : i32, i32, i32
  }
  func.func @transform_3(%arg0: i32) -> (i32, i32, i32) {
    %add3A = arith.constant 0 : i32
    %add3A_0 = arith.addi %arg0, %add3A : i32
    %c0_i32 = arith.constant 0 : i32
    %c0_i32_1 = arith.constant 0 : i32
    %c0_i32_2 = arith.constant 0 : i32
    return %add3A_0, %c0_i32, %c0_i32_1 : i32, i32, i32
  }
  func.func @transform_4(%arg0: i32) -> (i32, i32, i32) {
    %c0_i32 = arith.constant 0 : i32
    %c0_i32_0 = arith.constant 0 : i32
    %c0_i32_1 = arith.constant 0 : i32
    return %arg0, %c0_i32, %c0_i32_0 : i32, i32, i32
  }
  func.func @transform_5(%arg0: i32) -> (i32, i32, i32) {
    %c0_i32 = arith.constant 0 : i32
    %c0_i32_0 = arith.constant 0 : i32
    %c0_i32_1 = arith.constant 0 : i32
    return %arg0, %c0_i32, %c0_i32_0 : i32, i32, i32
  }
  func.func @transform_6(%arg0: i32) -> (i32, i32, i32) {
    %c0_i32 = arith.constant 0 : i32
    %c0_i32_0 = arith.constant 0 : i32
    %c0_i32_1 = arith.constant 0 : i32
    return %arg0, %c0_i32, %c0_i32_0 : i32, i32, i32
  }
}

module attributes {stable_mosaic.version = 14 : i64} {
  func.func @_rot_body(%arg0: i32, %arg1: memref<64x50x1xf32, #tpu.memory_space<vmem>>, %arg2: memref<1x1x64xf32, #tpu.memory_space<vmem>>, %arg3: memref<64x50x64xf32, #tpu.memory_space<vmem>>, %arg4: memref<64x50x64xf32, #tpu.memory_space<vmem>>, %arg5: memref<64x50x128xf32, #tpu.memory_space<vmem>>, %arg6: memref<64x50x64xf32, #tpu.memory_space<vmem>>, %arg7: memref<64x50x64xf32, #tpu.memory_space<vmem>>) attributes {dimension_semantics = [#tpu.dimension_semantics<arbitrary>], iteration_bounds = array<i64: 32>, scalar_prefetch = 0 : i64, scratch_operands = 0 : i64, tpu.core_type = #tpu.core_type<tc>, window_params = [{transform_indices = @transform_0, window_bounds = array<i64: 64, 50, 1>}, {pipeline_mode = #tpu.pipeline_mode<synchronous>, transform_indices = @transform_1, window_bounds = array<i64: 1, 1, 64>}, {transform_indices = @transform_2, window_bounds = array<i64: 64, 50, 64>}, {transform_indices = @transform_3, window_bounds = array<i64: 64, 50, 64>}, {transform_indices = @transform_4, window_bounds = array<i64: 64, 50, 128>}, {transform_indices = @transform_5, window_bounds = array<i64: 64, 50, 64>}, {transform_indices = @transform_6, window_bounds = array<i64: 64, 50, 64>}]} {
    %get3A = arith.constant 0 : index
    %get3A_0 = arith.constant 0 : index
    %get3A_1 = arith.constant 0 : index
    %get3A_2 = vector.load %arg1[%get3A, %get3A_0, %get3A_1] : memref<64x50x1xf32, #tpu.memory_space<vmem>>, vector<64x50x1xf32>
    %get3A_3 = arith.constant 0 : index
    %get3A_4 = arith.constant 0 : index
    %get3A_5 = arith.constant 0 : index
    %get3A_6 = vector.load %arg2[%get3A_3, %get3A_4, %get3A_5] : memref<1x1x64xf32, #tpu.memory_space<vmem>>, vector<1x1x64xf32>
    %get3A_7 = arith.constant 0 : index
    %get3A_8 = arith.constant 0 : index
    %get3A_9 = arith.constant 0 : index
    %get3A_10 = vector.load %arg3[%get3A_7, %get3A_8, %get3A_9] : memref<64x50x64xf32, #tpu.memory_space<vmem>>, vector<64x50x64xf32>
    %add3A = vector.broadcast %get3A_6 : vector<1x1x64xf32> to vector<64x50x64xf32>
    %add3A_11 = arith.addf %add3A, %get3A_10 : vector<64x50x64xf32>
    %mul3A = vector.broadcast %get3A_2 : vector<64x50x1xf32> to vector<64x50x64xf32>
    %mul3A_12 = arith.mulf %mul3A, %add3A_11 : vector<64x50x64xf32>
    %get3A_13 = arith.constant 0 : index
    %get3A_14 = arith.constant 0 : index
    %get3A_15 = arith.constant 0 : index
    %get3A_16 = vector.load %arg4[%get3A_13, %get3A_14, %get3A_15] : memref<64x50x64xf32, #tpu.memory_space<vmem>>, vector<64x50x64xf32>
    %add3A_17 = arith.addf %mul3A_12, %get3A_16 : vector<64x50x64xf32>
    %mul3A_18 = arith.constant 0.636619746 : f32
    %mul3A_19 = vector.broadcast %mul3A_18 : f32 to vector<64x50x64xf32>
    %mul3A_20 = arith.mulf %add3A_17, %mul3A_19 : vector<64x50x64xf32>
    %round3A = math.roundeven %mul3A_20 : vector<64x50x64xf32>
    %mul3A_21 = arith.constant 1.57079637 : f32
    %mul3A_22 = vector.broadcast %mul3A_21 : f32 to vector<64x50x64xf32>
    %mul3A_23 = arith.mulf %round3A, %mul3A_22 : vector<64x50x64xf32>
    %sub3A = arith.subf %add3A_17, %mul3A_23 : vector<64x50x64xf32>
    %mul3A_24 = arith.constant -4.37113883E-8 : f32
    %mul3A_25 = vector.broadcast %mul3A_24 : f32 to vector<64x50x64xf32>
    %mul3A_26 = arith.mulf %round3A, %mul3A_25 : vector<64x50x64xf32>
    %sub3A_27 = arith.subf %sub3A, %mul3A_26 : vector<64x50x64xf32>
    %mul3A_28 = arith.mulf %sub3A_27, %sub3A_27 : vector<64x50x64xf32>
    %mul3A_29 = arith.constant 0.00833216123 : f32
    %mul3A_30 = vector.broadcast %mul3A_29 : f32 to vector<64x50x64xf32>
    %mul3A_31 = arith.mulf %mul3A_28, %mul3A_30 : vector<64x50x64xf32>
    %add3A_32 = arith.constant -0.166666552 : f32
    %add3A_33 = vector.broadcast %add3A_32 : f32 to vector<64x50x64xf32>
    %add3A_34 = arith.addf %add3A_33, %mul3A_31 : vector<64x50x64xf32>
    %mul3A_35 = arith.mulf %mul3A_28, %add3A_34 : vector<64x50x64xf32>
    %add3A_36 = arith.constant 1.000000e+00 : f32
    %add3A_37 = vector.broadcast %add3A_36 : f32 to vector<64x50x64xf32>
    %add3A_38 = arith.addf %add3A_37, %mul3A_35 : vector<64x50x64xf32>
    %mul3A_39 = arith.mulf %sub3A_27, %add3A_38 : vector<64x50x64xf32>
    %mul3A_40 = arith.constant -0.00135850522 : f32
    %mul3A_41 = vector.broadcast %mul3A_40 : f32 to vector<64x50x64xf32>
    %mul3A_42 = arith.mulf %mul3A_28, %mul3A_41 : vector<64x50x64xf32>
    %add3A_43 = arith.constant 0.0416598544 : f32
    %add3A_44 = vector.broadcast %add3A_43 : f32 to vector<64x50x64xf32>
    %add3A_45 = arith.addf %add3A_44, %mul3A_42 : vector<64x50x64xf32>
    %mul3A_46 = arith.mulf %mul3A_28, %add3A_45 : vector<64x50x64xf32>
    %add3A_47 = arith.constant -0.49999997 : f32
    %add3A_48 = vector.broadcast %add3A_47 : f32 to vector<64x50x64xf32>
    %add3A_49 = arith.addf %add3A_48, %mul3A_46 : vector<64x50x64xf32>
    %mul3A_50 = arith.mulf %mul3A_28, %add3A_49 : vector<64x50x64xf32>
    %add3A_51 = arith.constant 1.000000e+00 : f32
    %add3A_52 = vector.broadcast %add3A_51 : f32 to vector<64x50x64xf32>
    %add3A_53 = arith.addf %add3A_52, %mul3A_50 : vector<64x50x64xf32>
    %convert_element_type3A = arith.fptosi %round3A : vector<64x50x64xf32> to vector<64x50x64xi32>
    %and3A = arith.constant 1 : i32
    %and3A_54 = vector.broadcast %and3A : i32 to vector<64x50x64xi32>
    %and3A_55 = arith.andi %convert_element_type3A, %and3A_54 : vector<64x50x64xi32>
    %ne3A = arith.constant 0 : i32
    %ne3A_56 = vector.broadcast %ne3A : i32 to vector<64x50x64xi32>
    %ne3A_57 = arith.cmpi ne, %and3A_55, %ne3A_56 : vector<64x50x64xi32>
    %and3A_58 = arith.constant 2 : i32
    %and3A_59 = vector.broadcast %and3A_58 : i32 to vector<64x50x64xi32>
    %and3A_60 = arith.andi %convert_element_type3A, %and3A_59 : vector<64x50x64xi32>
    %ne3A_61 = arith.constant 0 : i32
    %ne3A_62 = vector.broadcast %ne3A_61 : i32 to vector<64x50x64xi32>
    %ne3A_63 = arith.cmpi ne, %and3A_60, %ne3A_62 : vector<64x50x64xi32>
    %select_n3A = arith.select %ne3A_57, %add3A_53, %mul3A_39 : vector<64x50x64xi1>, vector<64x50x64xf32>
    %select_n3A_64 = arith.select %ne3A_57, %mul3A_39, %add3A_53 : vector<64x50x64xi1>, vector<64x50x64xf32>
    %neg3A = arith.constant 0.000000e+00 : f32
    %neg3A_65 = vector.broadcast %neg3A : f32 to vector<64x50x64xf32>
    %neg3A_66 = arith.subf %neg3A_65, %select_n3A : vector<64x50x64xf32>
    %select_n3A_67 = arith.select %ne3A_63, %neg3A_66, %select_n3A : vector<64x50x64xi1>, vector<64x50x64xf32>
    %ne3A_68 = arith.xori %ne3A_57, %ne3A_63 : vector<64x50x64xi1>
    %neg3A_69 = arith.constant 0.000000e+00 : f32
    %neg3A_70 = vector.broadcast %neg3A_69 : f32 to vector<64x50x64xf32>
    %neg3A_71 = arith.subf %neg3A_70, %select_n3A_64 : vector<64x50x64xf32>
    %select_n3A_72 = arith.select %ne3A_68, %neg3A_71, %select_n3A_64 : vector<64x50x64xi1>, vector<64x50x64xf32>
    %get3A_73 = arith.constant 0 : index
    %get3A_74 = arith.constant 0 : index
    %get3A_75 = arith.constant 0 : index
    %get3A_76 = vector.load %arg5[%get3A_73, %get3A_74, %get3A_75] : memref<64x50x128xf32, #tpu.memory_space<vmem>>, vector<64x50x64xf32>
    %get3A_77 = arith.constant 0 : index
    %get3A_78 = arith.constant 0 : index
    %get3A_79 = arith.constant 64 : index
    %get3A_80 = vector.load %arg5[%get3A_77, %get3A_78, %get3A_79] : memref<64x50x128xf32, #tpu.memory_space<vmem>>, vector<64x50x64xf32>
    %mul3A_81 = arith.mulf %get3A_76, %select_n3A_72 : vector<64x50x64xf32>
    %mul3A_82 = arith.mulf %get3A_80, %select_n3A_67 : vector<64x50x64xf32>
    %sub3A_83 = arith.subf %mul3A_81, %mul3A_82 : vector<64x50x64xf32>
    %swap3A = arith.constant 0 : index
    %swap3A_84 = arith.constant 0 : index
    %swap3A_85 = arith.constant 0 : index
    %swap3A_86 = vector.load %arg6[%swap3A, %swap3A_84, %swap3A_85] : memref<64x50x64xf32, #tpu.memory_space<vmem>>, vector<64x50x64xf32>
    tpu.vector_store %arg6[%swap3A, %swap3A_84, %swap3A_85], %sub3A_83 {strides = array<i32>} : memref<64x50x64xf32, #tpu.memory_space<vmem>>, vector<64x50x64xf32>,
    %mul3A_87 = arith.mulf %get3A_76, %select_n3A_67 : vector<64x50x64xf32>
    %mul3A_88 = arith.mulf %get3A_80, %select_n3A_72 : vector<64x50x64xf32>
    %add3A_89 = arith.addf %mul3A_87, %mul3A_88 : vector<64x50x64xf32>
    %swap3A_90 = arith.constant 0 : index
    %swap3A_91 = arith.constant 0 : index
    %swap3A_92 = arith.constant 0 : index
    %swap3A_93 = vector.load %arg7[%swap3A_90, %swap3A_91, %swap3A_92] : memref<64x50x64xf32, #tpu.memory_space<vmem>>, vector<64x50x64xf32>
    tpu.vector_store %arg7[%swap3A_90, %swap3A_91, %swap3A_92], %add3A_89 {strides = array<i32>} : memref<64x50x64xf32, #tpu.memory_space<vmem>>, vector<64x50x64xf32>,
    return
  }
  func.func @transform_0(%arg0: i32) -> (i32, i32, i32) {
    %add3A = arith.constant 32 : i32
    %add3A_0 = arith.addi %arg0, %add3A : i32
    %c0_i32 = arith.constant 0 : i32
    %c0_i32_1 = arith.constant 0 : i32
    %c0_i32_2 = arith.constant 0 : i32
    return %add3A_0, %c0_i32, %c0_i32_1 : i32, i32, i32
  }
  func.func @transform_1(%arg0: i32) -> (i32, i32, i32) {
    %c0_i32 = arith.constant 0 : i32
    %c0_i32_0 = arith.constant 0 : i32
    %c0_i32_1 = arith.constant 0 : i32
    %c0_i32_2 = arith.constant 0 : i32
    return %c0_i32, %c0_i32_0, %c0_i32_1 : i32, i32, i32
  }
  func.func @transform_2(%arg0: i32) -> (i32, i32, i32) {
    %add3A = arith.constant 32 : i32
    %add3A_0 = arith.addi %arg0, %add3A : i32
    %c0_i32 = arith.constant 0 : i32
    %c0_i32_1 = arith.constant 0 : i32
    %c0_i32_2 = arith.constant 0 : i32
    return %add3A_0, %c0_i32, %c0_i32_1 : i32, i32, i32
  }
  func.func @transform_3(%arg0: i32) -> (i32, i32, i32) {
    %add3A = arith.constant 32 : i32
    %add3A_0 = arith.addi %arg0, %add3A : i32
    %c0_i32 = arith.constant 0 : i32
    %c0_i32_1 = arith.constant 0 : i32
    %c0_i32_2 = arith.constant 0 : i32
    return %add3A_0, %c0_i32, %c0_i32_1 : i32, i32, i32
  }
  func.func @transform_4(%arg0: i32) -> (i32, i32, i32) {
    %c0_i32 = arith.constant 0 : i32
    %c0_i32_0 = arith.constant 0 : i32
    %c0_i32_1 = arith.constant 0 : i32
    return %arg0, %c0_i32, %c0_i32_0 : i32, i32, i32
  }
  func.func @transform_5(%arg0: i32) -> (i32, i32, i32) {
    %c0_i32 = arith.constant 0 : i32
    %c0_i32_0 = arith.constant 0 : i32
    %c0_i32_1 = arith.constant 0 : i32
    return %arg0, %c0_i32, %c0_i32_0 : i32, i32, i32
  }
  func.func @transform_6(%arg0: i32) -> (i32, i32, i32) {
    %c0_i32 = arith.constant 0 : i32
    %c0_i32_0 = arith.constant 0 : i32
    %c0_i32_1 = arith.constant 0 : i32
    return %arg0, %c0_i32, %c0_i32_0 : i32, i32, i32
  }
}

</mosaic_0001>

<sc_bundles>
// kernel: kernel.6.cloned.1.call-start
scs
__scs_entry_jumppad:
0x0: {  	(pc) =	sbr.rel $0x88, $3  }
0x1: {  	(tag) =	ssettag $0x0;
	lr =	simm.s32 $0x1  }
0x2: {  	[smem:$0x3F99] =	sst lr;
	_ =	strace $0xD0000000  }
0x3: {  	_ = 	snop  }
0x4: {  	_ = 	snop  }
0x5: {  	_ = 	snop  }
0x6: {  	_ = 	snop  }
0x7: {  	_ = 	snop  }
__scs_overlays_trampoline_lowered:
0x8: {  	[smem:$0x3FA8] =	sst s0  }
0x9: {  	[smem:$0x3FA9] =	sst s1  }
0xa: {  	[smem:$0x3FAA] =	sst s2  }
0xb: {  	[smem:$0x3FAB] =	sst s3  }
0xc: {  	[smem:$0x3FAC] =	sst s4  }
0xd: {  	[smem:$0x3FAD] =	sst s5  }
0xe: {  	[smem:$0x3FAE] =	sst s6  }
0xf: {  	[smem:$0x3FAF] =	sst s7  }
0x10: {  	[smem:$0x3FB0] =	sst s8  }
0x11: {  	[smem:$0x3FB1] =	sst s9;
	s0 =	simm.s32 @!p0 $0x0  }
0x12: {  	s1 =	sld [smem:$0x3F97];
	s0 =	simm.s32 @p0 $0x1  }
0x13: {  	[smem:$0x3FB2] =	sst s0;
	s0 =	simm.s32 @!p1 $0x0  }
0x14: {  	s2 =	sld [smem:$0x3F96];
	s0 =	simm.s32 @p1 $0x1  }
0x15: {  	[smem:$0x3FB3] =	sst s0;
	s0 =	simm.s32 @!p2 $0x0  }
0x16: {  	s3 =	sld [smem:$0x3FDB];
	s0 =	simm.s32 @p2 $0x1  }
0x17: {  	s4 =	simm.s32 $0x1BF5;
	[smem:$0x3FB5] =	sst s0  }
0x18: {  	s0 =	sld [smem:$0x3F98];
	_ =	swait.ge [sflag:s4], $0x0  }
0x19: {  	s7 =	sld [smem:$0x3F99]  }
0x1a: {  	s8 =	sadd.s32 $0xFFFFE003, lr  }
0x1b: {  	s9 =	sadd.s32 $0xFFFFFEF7, lr;
	s5 =	simm.s32 $0xFFFFFFFF;
	p2 =	slt.u32 s8, $0xFFFFF086  }
0x1c: {  	p1 =	slt.u32 s9, $0xF7A;
	s5 =	simm.s32 @!p2 $0x0  }
0x1d: {  	s5 =	simm.s32 @p1 $0x1;
	p0 =	seq.s32 s7, s2  }
0x1e: {  	s7 =	smul.u32 @!p0 $0xF7A, s2;
	p2 =	seq.s32 @!p0 s5, $0x0  }
0x1f: {  	s9 =	smul.u32 $0xF7A, s1;
	s8 =	simm.s32 @!p0 $0x1BF5;
	p2 =	por !p2, p0  }
0x20: {  	[sflag:s8] =	ssyncset.s32 @!p0 $0xFFFFF086;
	s6 =	sadd.s32 @!p0 s3, s7;
	s7 =	simm.s32 @!p0 $0x108  }
0x21: {  	s3 =	sadd.s32 s3, s9;
	s6 =	sadd.s32 @!p0 $0x88, s6;
	s7 =	simm.s32 @p2 $0x1082  }
0x22: {  	[simem:s7], [sflag:s8] =	dma.local @!p0 [hbm:s6], $0xF7A  }
0x23: {  	s9 =	sor.u32 $0xD0000000, s2;
	s6 =	simm.s32 $0x108;
	_ =	swait.ge @!p0 [sflag:s8], $0x0  }
0x24: {  	s3 =	sadd.s32 $0x88, s3;
	s6 =	simm.s32 @!p1 $0x1082;
	[sflag:s4] =	ssyncset.s32 $0xFFFFF086  }
0x25: {  	[simem:s6], [sflag:s4] =	dma.local [hbm:s3], $0xF7A  }
0x26: {  	[smem:$0x3F99] =	sst s1;
	(tag) =	ssettag s2;
	_ =	strace s9  }
0x27: {  	s1 =	sld [smem:$0x3FA9]  }
0x28: {  	s2 =	sld [smem:$0x3FAA]  }
0x29: {  	s4 =	sld [smem:$0x3FAC]  }
0x2a: {  	p0 =	seq.s32 s5, $0x0;
	s5 =	sld [smem:$0x3FAD]  }
0x2b: {  	s6 =	sld [smem:$0x3FAE]  }
0x2c: {  	s7 =	sld [smem:$0x3FAF]  }
0x2d: {  	s3 =	simm.s32 $0x108;
	s8 =	sld [smem:$0x3FB0]  }
0x2e: {  	s3 =	simm.s32 @!p0 $0x1082;
	s9 =	sld [smem:$0x3FB1]  }
0x2f: {  	lr =	sadd.s32 s0, s3;
	s0 =	sld [smem:$0x3FA8]  }
0x30: {  	s3 =	sld [smem:$0x3FAB]  }
0x31: {  	[smem:$0x3FB4] =	sst s10  }
0x32: {  	s10 =	sld [smem:$0x3FB2];
	_ =	sdelay $0x3  }
0x33: {  	p0 =	seq.s32 s10, $0x1;
	s10 =	sld [smem:$0x3FB4];
	_ =	sdelay $0x3  }
0x34: {  	[smem:$0x3FB4] =	sst s10  }
0x35: {  	s10 =	sld [smem:$0x3FB3];
	_ =	sdelay $0x3  }
0x36: {  	p1 =	seq.s32 s10, $0x1;
	s10 =	sld [smem:$0x3FB4];
	_ =	sdelay $0x3  }
0x37: {  	[smem:$0x3FB4] =	sst s10  }
0x38: {  	s10 =	sld [smem:$0x3FB5]  }
0x39: {  	_ = 	snop;
	(pc) =	sbr.ind lr, $3  }
0x3a: {  	_ = 	snop  }
0x3b: {  	_ = 	snop  }
0x3c: {  	p2 =	seq.s32 s10, $0x1;
	s10 =	sld [smem:$0x3FB4]  }
0x3d: {  	_ =	shalt  }
0x3e: {  	_ =	shalt  }
0x3f: {  	_ =	shalt  }
0x40: {  	_ =	shalt  }
0x41: {  	_ =	shalt  }
0x42: {  	_ =	shalt  }
0x43: {  	_ =	shalt  }
0x44: {  	_ =	shalt  }
0x45: {  	_ =	shalt  }
0x46: {  	_ =	shalt  }
0x47: {  	_ =	shalt  }
0x48: {  	_ =	shalt  }
0x49: {  	_ =	shalt  }
0x4a: {  	_ =	shalt  }
0x4b: {  	_ =	shalt  }
0x4c: {  	_ =	shalt  }
0x4d: {  	_ =	shalt  }
0x4e: {  	_ =	shalt  }
0x4f: {  	_ =	shalt  }
0x50: {  	_ =	shalt  }
0x51: {  	_ =	shalt  }
0x52: {  	_ =	shalt  }
0x53: {  	_ =	shalt  }
0x54: {  	_ =	shalt  }
0x55: {  	_ =	shalt  }
0x56: {  	_ =	shalt  }
0x57: {  	_ =	shalt  }
0x58: {  	_ =	shalt  }
0x59: {  	_ =	shalt  }
0x5a: {  	_ =	shalt  }
0x5b: {  	_ =	shalt  }
0x5c: {  	_ =	shalt  }
0x5d: {  	_ =	shalt  }
0x5e: {  	_ =	shalt  }
0x5f: {  	_ =	shalt  }
0x60: {  	_ =	shalt  }
0x61: {  	_ =	shalt  }
0x62: {  	_ =	shalt  }
0x63: {  	_ =	shalt  }
0x64: {  	_ =	shalt  }
0x65: {  	_ =	shalt  }
0x66: {  	_ =	shalt  }
0x67: {  	_ =	shalt  }
0x68: {  	_ =	shalt  }
0x69: {  	_ =	shalt  }
0x6a: {  	_ =	shalt  }
0x6b: {  	_ =	shalt  }
0x6c: {  	_ =	shalt  }
0x6d: {  	_ =	shalt  }
0x6e: {  	_ =	shalt  }
0x6f: {  	_ =	shalt  }
0x70: {  	_ =	shalt  }
0x71: {  	_ =	shalt  }
0x72: {  	_ =	shalt  }
0x73: {  	_ =	shalt  }
0x74: {  	_ =	shalt  }
0x75: {  	_ =	shalt  }
0x76: {  	_ =	shalt  }
0x77: {  	_ =	shalt  }
0x78: {  	_ =	shalt  }
0x79: {  	_ =	shalt  }
0x7a: {  	_ =	shalt  }
0x7b: {  	_ =	shalt  }
0x7c: {  	_ =	shalt  }
0x7d: {  	_ =	shalt  }
0x7e: {  	_ =	shalt  }
0x7f: {  	_ =	shalt  }
0x80: {  	_ =	shalt  }
0x81: {  	_ =	shalt  }
0x82: {  	_ =	shalt  }
0x83: {  	_ =	shalt  }
0x84: {  	_ =	shalt  }
0x85: {  	_ =	shalt  }
0x86: {  	_ =	shalt  }
0x87: {  	_ =	shalt  }
.Lfunc_end0:
.L_simem_size_0:
called_computation_lowered:
.L_overlay_start_0:
0x88: {  	s2 =	sld [smem:$0x3FD9]  }
0x89: {  	s3 =	sld [smem:$0x3FFE];
	_ =	sdelay $0x1  }
0x8a: {  	s1 =	srdreg.scid  }
0x8b: {  	s0 =	sand.u32 $0x1, s1  }
0x8c: {  	s17 =	sshll.u32 s0, $0xA;
	s2 =	sadd.s32 s3, s2  }
0x8d: {  	s2 =	sadd.s32 s2, s17  }
0x8e: {  	[smem:$0x3FC0] =	sst s2  }
0x8f: {  	_ = 	snop  }
0x90: {  	s2 =	sld [smem:$0x3FD0];
	(tm) =	ssettm $0x1  }
0x91: {  	s18 =	sld [smem:$0x3FFB];
	_ =	sdelay $0x3  }
0x92: {  	_ =	strace s18  }
0x93: {  	s3 =	sld [smem:$0x3FFC];
	_ =	sdelay $0x3  }
0x94: {  	_ =	strace s3  }
0x95: {  	s3 =	sld [smem:$0x3FFD];
	_ =	sdelay $0x3  }
0x96: {  	_ =	strace s3  }
0x97: {  	_ =	strace $0x8FFFFFFF  }
0x98: {  	s19 =	sld [smem:$0x3FDB];
	_ =	sdelay $0x1  }
0x99: {  	s4 =	simm.s32 $_scs_section_size  }
0x9a: {  	s5 =	simm.s32 $_size__tile_overlayer_lowered;
	s6 =	simm.s32 $_tile_overlayer_lowered  }
0x9b: {  	s22 =	simm.s32 $0x1BFF;
	s21 =	sshll.u32 s6, $0x1;
	s3 =	sadd.s32 s4, s19  }
0x9c: {  	s7 =	simm.s32 $0x0;
	s20 =	sshll.u32 s5, $0x1;
	s5 =	sadd.s32 s21, s3  }
0x9d: {  	[timem:s7], [sflag:s22] =	dma.local [hbm:s5], s20  }
0x9e: {  	_ =	swait.ge [sflag:s22], s20  }
0x9f: {  	s4 =	ssub.s32 $0x0, s20;
	[sflag:s22] =	ssyncset.done $0x0  }
0xa0: {  	[sflag:s22] =	ssyncadd.s32 s4;
	_ =	sdelay $0x1  }
0xa1: {  	s23 =	simm.s32 $0x1B8B  }
0xa2: {  	_ =	swait.ge [sflag:s23], $0x1  }
0xa3: {  	[sflag:s23] =	ssyncset.done $0x0  }
0xa4: {  	s25 =	simm.s32 $0x1B8E;
	s24 =	sld [smem:$0x3FFE];
	[sflag:s23] =	ssyncadd.s32 $0xFFFFFFFF  }
0xa5: {  	s26 =	simm.s32 $execute0_lowered;
	[smem:$0x3FD2] =	sst s25  }
0xa6: {  	s5 =	sshll.u32 s26, $0x1;
	_ =	strace $0x80000046;
	[dreg:$0x1] =	wrdreg $0xFFFFFFFF  }
0xa7: {  	s28 =	simm.s32 $_size_execute0_lowered;
	s3 =	sadd.s32 s3, s5;
	[dreg:$0x0] =	wrdreg $0x0  }
0xa8: {  	s5 =	sshll.u32 s28, $0x1;
	[dreg:$0x2] =	wrdreg s3  }
0xa9: {  	[dreg:$0x3] =	wrdreg s5  }
0xaa: {  	[dreg:$0x4] =	wrdreg $0xC0  }
0xab: {  	_ =	task [dreg:s7], $0x5FFFF  }
0xac: {  	[dreg:$0x1] =	wrdreg $0xFFFFFFFF  }
0xad: {  	[dreg:$0x0] =	wrdreg $0x60  }
0xae: {  	[dreg:$0x2] =	wrdreg s24  }
0xaf: {  	[dreg:$0x3] =	wrdreg s2  }
0xb0: {  	[dreg:$0x4] =	wrdreg $0x9  }
0xb1: {  	_ =	task.clear_ibuf [dreg:s7], $0x5FFFF;
	_ =	strace $0x90000046  }
0xb2: {  	s29 =	simm.s32 $0x9;
	_ =	strace $0x80000048  }
0xb3: {  	_ =	swait.ge [sflag:s29], $0x1  }
0xb4: {  	[sflag:s29] =	ssyncadd.s32 $0xFFFFFFFF  }
0xb5: {  	_ =	strace $0x90000048  }
0xb6: {  	_ =	sfence  }
0xb7: {  	s30 =	sld [smem:$0x0];
	_ =	sdelay $0x2  }
0xb8: {  	s31 =	sshll.u32 s1, $0xD;
	s1 =	sshrl.u32 s1, $0x2  }
0xb9: {  	s3 =	sand.u32 $0x4000, s31;
	s1 =	sadd.s32 s1, s30  }
0xba: {  	s0 =	sor.u32 s3, s0;
	s1 =	sshll.u32 s1, $0x11  }
0xbb: {  	s0 =	sor.u32 s1, s0  }
0xbc: {  	s0 =	sadd.s32 $0x8F2B, s0  }
0xbd: {  	[sflag:s0] =	ssyncadd.remote.s32 $0x1  }
0xbe: {  	_ =	sfence.sel $0xFFFF  }
0xbf: {  	[dreg:$0x0] =	wrdreg $0xFFFFFFFF;
	(pc) =	sbr.abs _section_cstart, $3  }
0xc0: {  	[dreg:$0x1] =	wrdreg $0xFFFFFFFF  }
0xc1: {  	_ =	task.clear_ibuf [dreg:s7], $0x2FFFF;
	_ =	strace $0x9FFFFFFF  }
0xc2: {  	(tm) =	ssettm $0x7FFFFFFF  }
0xc3: {  	_ =	shalt  }
tec
execute0_lowered:
.L_overlay_start_1:
0x0: {  	(tag) =	ssettag $0x1  }
0x1: {  	s6 =	rddreg [dreg:$0x0]  }
0x2: {  	s5 =	rddreg [dreg:$0x1]  }
0x3: {  	s0 =	rddreg [dreg:$0x2];
	s3 =	srdreg.scid  }
0x4: {  	s1 =	stileid.u32;
	s2 =	simm.s32 $0x0;
	s15 =	simm.s32 $0x2700  }
0x5: {  	s16 =	simm.s32 $0x1A80;
	s17 =	simm.s32 $0x3380;
	s18 =	simm.s32 $0x1  }
0x6: {  	s19 =	simm.s32 $0x3;
	s20 =	simm.s32 $0x40;
	s21 =	simm.s32 $0x80  }
0x7: {  	s22 =	simm.s32 $0x2;
	s23 =	simm.s32 $0x4;
	s24 =	simm.s32 $0xDC8  }
0x8: {  	s25 =	simm.s32 $0x0;
	s9 =	sand.u32 $0x1, s3;
	s28 =	sshll.u32 s1, $0x1  }
0x9: {  	[smem:$0x7FF] =	sst s2;
	s3 =	sadd.s32 $0xC8400, s6;
	s13 =	smul.u32 $0x19000, s1  }
0xa: {  	s12 =	sadd.s32 $0x18BA00, s6;
	s4 =	sor.u32 s9, s28;
	s14 =	smul.u32 $0xC800, s9  }
0xb: {  	s29 =	sadd.s32 $0x18BA08, s6;
	s7 =	ssub.s32 $0x2, s9;
	s8 =	smul.u32 $0x1C0, s4  }
0xc: {  	_ =	strace $0x80000047;
	s10 =	sshrl.u32 s7, $0x1;
	s11 =	smul.u32 $0xC800, s4  }
0xd: {  	s4 =	sadd.s32 $0x4E00, s6;
	s31 =	sadd.s32 s13, s12;
	s13 =	simm.s32 $0x32  }
0xe: {  	s7 =	ssub.s32 s7, s10;
	s5 =	sadd.s32 s5, s8;
	s30 =	sadd.s32 $0xC1C0, s11  }
0xf: {  	s6 =	smax.u32 s7, $0x1;
	s11 =	sadd.s32 $0xC4E0, s11;
	s7 =	sadd.s32 s12, s30  }
0x10: {  	s8 =	sadd.s32 s30, s29;
	s9 =	sadd.s32 s12, s11;
	s10 =	sadd.s32 s11, s29  }
0x11: {  	s11 =	sadd.s32 s14, s31;
	s12 =	simm.s32 $0x5;
	s14 =	simm.s32 $0xE00  }
.LBB2_1:
0x12: {  	[tilespmem:s2], [sflag:$0x5] =	stream.linear.gather [hbm4b:s5+s2], $0xE00, $0x38;
	[tilespmem:$0x4000] =	vst v63  }
0x13: {  	_ =	swait.ge [sflag:s12], $0xE00  }
0x14: {  	[sflag:s12] =	ssyncset.done $0x0  }
0x15: {  	[sflag:s12] =	ssyncadd.s32 $0xFFFFF200  }
0x16: {  	[tilespmem:s14], [sflag:$0x1] =	stream.indirect.gather [hbm4b:s3+s13], $0x40, s2, s13, $0xb8;
	[tilespmem:$0x4000] =	vst v63  }
0x17: {  	_ = 	snop  }
0x18: {  	[tilespmem:s15], [sflag:$0x3] =	stream.indirect.gather [hbm4b:s4+s13], $0x40, s2, s13, $0xb8;
	[tilespmem:$0x4000] =	vst v63  }
0x19: {  	s26 =	simm.s32 $0x38  }
0x1a: {  	[tilespmem:s16], [sflag:$0x2] =	stream.indirect.gather [hbm4b:s3+s13], $0x40, s26, s13, $0xb8;
	[tilespmem:$0x4000] =	vst v63  }
0x1b: {  	_ = 	snop  }
0x1c: {  	[tilespmem:s17], [sflag:$0x4] =	stream.indirect.gather [hbm4b:s4+s13], $0x40, s26, s13, $0xb8;
	[tilespmem:$0x4000] =	vst v63  }
0x1d: {  	_ =	swait.ge [sflag:s18], $0xC80  }
0x1e: {  	[sflag:s18] =	ssyncset.done $0x0  }
0x1f: {  	[sflag:s18] =	ssyncadd.s32 $0xFFFFF380  }
0x20: {  	_ =	swait.ge [sflag:s19], $0xC80  }
0x21: {  	[sflag:s19] =	ssyncset.done $0x0  }
0x22: {  	s28 =	sadd.s32 $0x0, s11;
	[sflag:s19] =	ssyncadd.s32 $0xFFFFF380  }
0x23: {  	[hbm4b:s28+s20] =	stream.strided.scatter [tilespmem:s14], [sflag:$0x5], $0xC80, s21, s20, $0x38;
	[tilespmem:$0x4000] =	vst v63  }
0x24: {  	_ =	swait.ge [sflag:s12], $0xC80  }
0x25: {  	[sflag:s12] =	ssyncset.done $0x0  }
0x26: {  	s29 =	sadd.s32 $0x8, s28;
	[sflag:s12] =	ssyncadd.s32 $0xFFFFF380  }
0x27: {  	[hbm4b:s29+s20] =	stream.strided.scatter [tilespmem:s15], [sflag:$0x5], $0xC80, s21, s20, $0x38;
	[tilespmem:$0x4000] =	vst v63  }
0x28: {  	_ =	swait.ge [sflag:s12], $0xC80  }
0x29: {  	[sflag:s12] =	ssyncset.done $0x0  }
0x2a: {  	s30 =	simm.s32 $0x70;
	[sflag:s12] =	ssyncadd.s32 $0xFFFFF380  }
0x2b: {  	[tilespmem:s14], [sflag:$0x1] =	stream.indirect.gather [hbm4b:s3+s13], $0x40, s30, s13, $0xb8;
	[tilespmem:$0x4000] =	vst v63  }
0x2c: {  	_ = 	snop  }
0x2d: {  	[tilespmem:s15], [sflag:$0x3] =	stream.indirect.gather [hbm4b:s4+s13], $0x40, s30, s13, $0xb8;
	[tilespmem:$0x4000] =	vst v63  }
0x2e: {  	_ =	swait.ge [sflag:s22], $0xC80  }
0x2f: {  	[sflag:s22] =	ssyncset.done $0x0  }
0x30: {  	[sflag:s22] =	ssyncadd.s32 $0xFFFFF380  }
0x31: {  	_ =	swait.ge [sflag:s23], $0xC80  }
0x32: {  	[sflag:s23] =	ssyncset.done $0x0  }
0x33: {  	s31 =	sadd.s32 $0x320, s28;
	[sflag:s23] =	ssyncadd.s32 $0xFFFFF380  }
0x34: {  	[hbm4b:s31+s20] =	stream.strided.scatter [tilespmem:s16], [sflag:$0x5], $0xC80, s21, s20, $0x38;
	[tilespmem:$0x4000] =	vst v63  }
0x35: {  	_ =	swait.ge [sflag:s12], $0xC80  }
0x36: {  	[sflag:s12] =	ssyncset.done $0x0  }
0x37: {  	s28 =	sadd.s32 $0x328, s28;
	[sflag:s12] =	ssyncadd.s32 $0xFFFFF380  }
0x38: {  	[hbm4b:s28+s20] =	stream.strided.scatter [tilespmem:s17], [sflag:$0x5], $0xC80, s21, s20, $0x38;
	[tilespmem:$0x4000] =	vst v63  }
0x39: {  	_ =	swait.ge [sflag:s12], $0xC80  }
0x3a: {  	s28 =	simm.s32 $0x640;
	[sflag:s12] =	ssyncset.done $0x0  }
.LBB2_2:
0x3b: {  	p0 =	sne.s32 s28, $0xBB80;
	[sflag:s12] =	ssyncadd.s32 $0xFFFFF380;
	s26 =	sadd.s32 $0x70, s26  }
0x3c: {  	[tilespmem:s16], [sflag:$0x2] =	stream.indirect.gather [hbm4b:s3+s13], $0x40, s26, s13, $0xb8;
	[tilespmem:$0x4000] =	vst v63  }
0x3d: {  	s29 =	smov.u32 s28;
	s28 =	sadd.s32 $0x640, s28  }
0x3e: {  	[tilespmem:s17], [sflag:$0x4] =	stream.indirect.gather [hbm4b:s4+s13], $0x40, s26, s13, $0xb8;
	[tilespmem:$0x4000] =	vst v63  }
0x3f: {  	_ =	swait.ge [sflag:s18], $0xC80  }
0x40: {  	[sflag:s18] =	ssyncset.done $0x0  }
0x41: {  	[sflag:s18] =	ssyncadd.s32 $0xFFFFF380  }
0x42: {  	_ =	swait.ge [sflag:s19], $0xC80  }
0x43: {  	[sflag:s19] =	ssyncset.done $0x0  }
0x44: {  	s29 =	sadd.s32 s29, s11;
	[sflag:s19] =	ssyncadd.s32 $0xFFFFF380  }
0x45: {  	[hbm4b:s29+s20] =	stream.strided.scatter [tilespmem:s14], [sflag:$0x5], $0xC80, s21, s20, $0x38;
	[tilespmem:$0x4000] =	vst v63  }
0x46: {  	_ =	swait.ge [sflag:s12], $0xC80  }
0x47: {  	[sflag:s12] =	ssyncset.done $0x0  }
0x48: {  	s30 =	sadd.s32 $0x8, s29;
	[sflag:s12] =	ssyncadd.s32 $0xFFFFF380  }
0x49: {  	[hbm4b:s30+s20] =	stream.strided.scatter [tilespmem:s15], [sflag:$0x5], $0xC80, s21, s20, $0x38;
	[tilespmem:$0x4000] =	vst v63  }
0x4a: {  	_ =	swait.ge [sflag:s12], $0xC80  }
0x4b: {  	[sflag:s12] =	ssyncset.done $0x0  }
0x4c: {  	s30 =	sadd.s32 $0x38, s26;
	[sflag:s12] =	ssyncadd.s32 $0xFFFFF380  }
0x4d: {  	[tilespmem:s14], [sflag:$0x1] =	stream.indirect.gather [hbm4b:s3+s13], $0x40, s30, s13, $0xb8;
	[tilespmem:$0x4000] =	vst v63  }
0x4e: {  	_ = 	snop  }
0x4f: {  	[tilespmem:s15], [sflag:$0x3] =	stream.indirect.gather [hbm4b:s4+s13], $0x40, s30, s13, $0xb8;
	[tilespmem:$0x4000] =	vst v63  }
0x50: {  	_ =	swait.ge [sflag:s22], $0xC80  }
0x51: {  	[sflag:s22] =	ssyncset.done $0x0  }
0x52: {  	[sflag:s22] =	ssyncadd.s32 $0xFFFFF380  }
0x53: {  	_ =	swait.ge [sflag:s23], $0xC80  }
0x54: {  	[sflag:s23] =	ssyncset.done $0x0  }
0x55: {  	s30 =	sadd.s32 $0x320, s29;
	[sflag:s23] =	ssyncadd.s32 $0xFFFFF380  }
0x56: {  	[hbm4b:s30+s20] =	stream.strided.scatter [tilespmem:s16], [sflag:$0x5], $0xC80, s21, s20, $0x38;
	[tilespmem:$0x4000] =	vst v63  }
0x57: {  	_ =	swait.ge [sflag:s12], $0xC80  }
.Ltmp0:
0x58: {  	[sflag:s12] =	ssyncset.done $0x0;
	(pc) =	sbr.rel @p0 .LBB2_2-.Ltmp0, $4  }
0x59: {  	s29 =	sadd.s32 $0x328, s29;
	[sflag:s12] =	ssyncadd.s32 $0xFFFFF380  }
0x5a: {  	[hbm4b:s29+s20] =	stream.strided.scatter [tilespmem:s17], [sflag:$0x5], $0xC80, s21, s20, $0x38;
	[tilespmem:$0x4000] =	vst v63  }
0x5b: {  	_ =	swait.ge [sflag:s12], $0xC80  }
0x5c: {  	[sflag:s12] =	ssyncset.done $0x0  }
0x5d: {  	[sflag:s12] =	ssyncadd.s32 $0xFFFFF380  }
0x5e: {  	[tilespmem:s16], [sflag:$0x2] =	stream.indirect.gather [hbm4b:s3+s13], $0x40, s24, s13, $0xb8;
	[tilespmem:$0x4000] =	vst v63  }
0x5f: {  	_ = 	snop  }
0x60: {  	[tilespmem:s17], [sflag:$0x4] =	stream.indirect.gather [hbm4b:s4+s13], $0x40, s24, s13, $0xb8;
	[tilespmem:$0x4000] =	vst v63  }
0x61: {  	_ =	swait.ge [sflag:s18], $0xC80  }
0x62: {  	[sflag:s18] =	ssyncset.done $0x0  }
0x63: {  	[sflag:s18] =	ssyncadd.s32 $0xFFFFF380  }
0x64: {  	_ =	swait.ge [sflag:s19], $0xC80  }
0x65: {  	[sflag:s19] =	ssyncset.done $0x0  }
0x66: {  	[sflag:s19] =	ssyncadd.s32 $0xFFFFF380  }
0x67: {  	[hbm4b:s7+s20] =	stream.strided.scatter [tilespmem:s14], [sflag:$0x5], $0xC80, s21, s20, $0x38;
	[tilespmem:$0x4000] =	vst v63  }
0x68: {  	_ =	swait.ge [sflag:s12], $0xC80  }
0x69: {  	[sflag:s12] =	ssyncset.done $0x0  }
0x6a: {  	[sflag:s12] =	ssyncadd.s32 $0xFFFFF380  }
0x6b: {  	[hbm4b:s8+s20] =	stream.strided.scatter [tilespmem:s15], [sflag:$0x5], $0xC80, s21, s20, $0x38;
	[tilespmem:$0x4000] =	vst v63  }
0x6c: {  	_ =	swait.ge [sflag:s12], $0xC80  }
0x6d: {  	[sflag:s12] =	ssyncset.done $0x0  }
0x6e: {  	[sflag:s12] =	ssyncadd.s32 $0xFFFFF380  }
0x6f: {  	_ =	swait.ge [sflag:s22], $0xC80  }
0x70: {  	[sflag:s22] =	ssyncset.done $0x0  }
0x71: {  	[sflag:s22] =	ssyncadd.s32 $0xFFFFF380  }
0x72: {  	_ =	swait.ge [sflag:s23], $0xC80  }
0x73: {  	[sflag:s23] =	ssyncset.done $0x0  }
0x74: {  	[sflag:s23] =	ssyncadd.s32 $0xFFFFF380  }
0x75: {  	[hbm4b:s9+s20] =	stream.strided.scatter [tilespmem:s16], [sflag:$0x5], $0xC80, s21, s20, $0x38;
	[tilespmem:$0x4000] =	vst v63  }
0x76: {  	s25 =	sadd.s32 $0x1, s25;
	_ =	swait.ge [sflag:s12], $0xC80  }
0x77: {  	p0 =	sne.s32 s25, s6;
	[sflag:s12] =	ssyncset.done $0x0  }
.Ltmp1:
0x78: {  	[sflag:s12] =	ssyncadd.s32 $0xFFFFF380;
	(pc) =	sbr.rel @p0 .LBB2_1-.Ltmp1, $4  }
0x79: {  	[hbm4b:s10+s20] =	stream.strided.scatter [tilespmem:s17], [sflag:$0x5], $0xC80, s21, s20, $0x38;
	[tilespmem:$0x4000] =	vst v63  }
0x7a: {  	_ =	swait.ge [sflag:s12], $0xC80  }
0x7b: {  	[sflag:s12] =	ssyncset.done $0x0  }
0x7c: {  	[sflag:s12] =	ssyncadd.s32 $0xFFFFF380  }
0x7d: {  	_ =	sfence.sel $0x180000  }
0x7e: {  	[bflag:$0x0] =	sbarrier.arrive $0xFFFF  }
0x7f: {  	p0 =	sne.s32 s1, $0x0;
	_ =	strace $0x90000047  }
0x80: {  	s0 =	sadd.s32 @!p0 $0x100000, s0;
	[bflag:$0x2] =	sbarrier.arrive $0xFFFF  }
0x81: {  	[sflag:s0] =	ssyncadd.tile.s32 @!p0 $0x1;
	_ =	shalt  }
.Lfunc_end2:
_tile_overlayer_lowered:
.L_overlay_start_2:
0x82: {  	(tag) =	ssettag $0x2  }
0x83: {  	s0 =	rddreg [dreg:$0x0];
	s2 =	stileid.u32  }
0x84: {  	s1 =	rddreg [dreg:$0x1];
	p0 =	sne.s32 s2, $0x0  }
0x85: {  	s3 =	rddreg [dreg:$0x2];
	[bflag:$0x3] =	sbarrier.arrive $0xFFFF;
	s2 =	simm.s32 @!p0 $0x1C05  }
0x86: {  	[timem:s3], [sflag:s2] =	dma.local @!p0 [hbm:s0], s1  }
0x87: {  	s0 =	simm.s32 @!p0 $0x5  }
0x88: {  	_ =	swait.ge @!p0 [sflag:s0], s1  }
0x89: {  	s1 =	ssub.s32 @!p0 $0x0, s1;
	[sflag:s0] =	ssyncset.done @!p0 $0x0  }
0x8a: {  	[sflag:s0] =	ssyncadd.s32 @!p0 s1  }
0x8b: {  	[bflag:$0x3] =	sbarrier.arrive $0xFFFF  }
0x8c: {  	_ =	shalt  }

// kernel: kernel.9.cloned.1.call-start
scs
__scs_entry_jumppad:
0x0: {  	(pc) =	sbr.rel $0x88, $3  }
0x1: {  	(tag) =	ssettag $0x0;
	lr =	simm.s32 $0x1  }
0x2: {  	[smem:$0x3F99] =	sst lr;
	_ =	strace $0xD0000000  }
0x3: {  	_ = 	snop  }
0x4: {  	_ = 	snop  }
0x5: {  	_ = 	snop  }
0x6: {  	_ = 	snop  }
0x7: {  	_ = 	snop  }
__scs_overlays_trampoline_lowered:
0x8: {  	[smem:$0x3FA8] =	sst s0  }
0x9: {  	[smem:$0x3FA9] =	sst s1  }
0xa: {  	[smem:$0x3FAA] =	sst s2  }
0xb: {  	[smem:$0x3FAB] =	sst s3  }
0xc: {  	[smem:$0x3FAC] =	sst s4  }
0xd: {  	[smem:$0x3FAD] =	sst s5  }
0xe: {  	[smem:$0x3FAE] =	sst s6  }
0xf: {  	[smem:$0x3FAF] =	sst s7  }
0x10: {  	[smem:$0x3FB0] =	sst s8  }
0x11: {  	[smem:$0x3FB1] =	sst s9;
	s0 =	simm.s32 @!p0 $0x0  }
0x12: {  	s1 =	sld [smem:$0x3F97];
	s0 =	simm.s32 @p0 $0x1  }
0x13: {  	[smem:$0x3FB2] =	sst s0;
	s0 =	simm.s32 @!p1 $0x0  }
0x14: {  	s2 =	sld [smem:$0x3F96];
	s0 =	simm.s32 @p1 $0x1  }
0x15: {  	[smem:$0x3FB3] =	sst s0;
	s0 =	simm.s32 @!p2 $0x0  }
0x16: {  	s3 =	sld [smem:$0x3FDB];
	s0 =	simm.s32 @p2 $0x1  }
0x17: {  	s4 =	simm.s32 $0x1BF5;
	[smem:$0x3FB5] =	sst s0  }
0x18: {  	s0 =	sld [smem:$0x3F98];
	_ =	swait.ge [sflag:s4], $0x0  }
0x19: {  	s7 =	sld [smem:$0x3F99]  }
0x1a: {  	s8 =	sadd.s32 $0xFFFFE003, lr  }
0x1b: {  	s9 =	sadd.s32 $0xFFFFFEF7, lr;
	s5 =	simm.s32 $0xFFFFFFFF;
	p2 =	slt.u32 s8, $0xFFFFF086  }
0x1c: {  	p1 =	slt.u32 s9, $0xF7A;
	s5 =	simm.s32 @!p2 $0x0  }
0x1d: {  	s5 =	simm.s32 @p1 $0x1;
	p0 =	seq.s32 s7, s2  }
0x1e: {  	s7 =	smul.u32 @!p0 $0xF7A, s2;
	p2 =	seq.s32 @!p0 s5, $0x0  }
0x1f: {  	s9 =	smul.u32 $0xF7A, s1;
	s8 =	simm.s32 @!p0 $0x1BF5;
	p2 =	por !p2, p0  }
0x20: {  	[sflag:s8] =	ssyncset.s32 @!p0 $0xFFFFF086;
	s6 =	sadd.s32 @!p0 s3, s7;
	s7 =	simm.s32 @!p0 $0x108  }
0x21: {  	s3 =	sadd.s32 s3, s9;
	s6 =	sadd.s32 @!p0 $0x88, s6;
	s7 =	simm.s32 @p2 $0x1082  }
0x22: {  	[simem:s7], [sflag:s8] =	dma.local @!p0 [hbm:s6], $0xF7A  }
0x23: {  	s9 =	sor.u32 $0xD0000000, s2;
	s6 =	simm.s32 $0x108;
	_ =	swait.ge @!p0 [sflag:s8], $0x0  }
0x24: {  	s3 =	sadd.s32 $0x88, s3;
	s6 =	simm.s32 @!p1 $0x1082;
	[sflag:s4] =	ssyncset.s32 $0xFFFFF086  }
0x25: {  	[simem:s6], [sflag:s4] =	dma.local [hbm:s3], $0xF7A  }
0x26: {  	[smem:$0x3F99] =	sst s1;
	(tag) =	ssettag s2;
	_ =	strace s9  }
0x27: {  	s1 =	sld [smem:$0x3FA9]  }
0x28: {  	s2 =	sld [smem:$0x3FAA]  }
0x29: {  	s4 =	sld [smem:$0x3FAC]  }
0x2a: {  	p0 =	seq.s32 s5, $0x0;
	s5 =	sld [smem:$0x3FAD]  }
0x2b: {  	s6 =	sld [smem:$0x3FAE]  }
0x2c: {  	s7 =	sld [smem:$0x3FAF]  }
0x2d: {  	s3 =	simm.s32 $0x108;
	s8 =	sld [smem:$0x3FB0]  }
0x2e: {  	s3 =	simm.s32 @!p0 $0x1082;
	s9 =	sld [smem:$0x3FB1]  }
0x2f: {  	lr =	sadd.s32 s0, s3;
	s0 =	sld [smem:$0x3FA8]  }
0x30: {  	s3 =	sld [smem:$0x3FAB]  }
0x31: {  	[smem:$0x3FB4] =	sst s10  }
0x32: {  	s10 =	sld [smem:$0x3FB2];
	_ =	sdelay $0x3  }
0x33: {  	p0 =	seq.s32 s10, $0x1;
	s10 =	sld [smem:$0x3FB4];
	_ =	sdelay $0x3  }
0x34: {  	[smem:$0x3FB4] =	sst s10  }
0x35: {  	s10 =	sld [smem:$0x3FB3];
	_ =	sdelay $0x3  }
0x36: {  	p1 =	seq.s32 s10, $0x1;
	s10 =	sld [smem:$0x3FB4];
	_ =	sdelay $0x3  }
0x37: {  	[smem:$0x3FB4] =	sst s10  }
0x38: {  	s10 =	sld [smem:$0x3FB5]  }
0x39: {  	_ = 	snop;
	(pc) =	sbr.ind lr, $3  }
0x3a: {  	_ = 	snop  }
0x3b: {  	_ = 	snop  }
0x3c: {  	p2 =	seq.s32 s10, $0x1;
	s10 =	sld [smem:$0x3FB4]  }
0x3d: {  	_ =	shalt  }
0x3e: {  	_ =	shalt  }
0x3f: {  	_ =	shalt  }
0x40: {  	_ =	shalt  }
0x41: {  	_ =	shalt  }
0x42: {  	_ =	shalt  }
0x43: {  	_ =	shalt  }
0x44: {  	_ =	shalt  }
0x45: {  	_ =	shalt  }
0x46: {  	_ =	shalt  }
0x47: {  	_ =	shalt  }
0x48: {  	_ =	shalt  }
0x49: {  	_ =	shalt  }
0x4a: {  	_ =	shalt  }
0x4b: {  	_ =	shalt  }
0x4c: {  	_ =	shalt  }
0x4d: {  	_ =	shalt  }
0x4e: {  	_ =	shalt  }
0x4f: {  	_ =	shalt  }
0x50: {  	_ =	shalt  }
0x51: {  	_ =	shalt  }
0x52: {  	_ =	shalt  }
0x53: {  	_ =	shalt  }
0x54: {  	_ =	shalt  }
0x55: {  	_ =	shalt  }
0x56: {  	_ =	shalt  }
0x57: {  	_ =	shalt  }
0x58: {  	_ =	shalt  }
0x59: {  	_ =	shalt  }
0x5a: {  	_ =	shalt  }
0x5b: {  	_ =	shalt  }
0x5c: {  	_ =	shalt  }
0x5d: {  	_ =	shalt  }
0x5e: {  	_ =	shalt  }
0x5f: {  	_ =	shalt  }
0x60: {  	_ =	shalt  }
0x61: {  	_ =	shalt  }
0x62: {  	_ =	shalt  }
0x63: {  	_ =	shalt  }
0x64: {  	_ =	shalt  }
0x65: {  	_ =	shalt  }
0x66: {  	_ =	shalt  }
0x67: {  	_ =	shalt  }
0x68: {  	_ =	shalt  }
0x69: {  	_ =	shalt  }
0x6a: {  	_ =	shalt  }
0x6b: {  	_ =	shalt  }
0x6c: {  	_ =	shalt  }
0x6d: {  	_ =	shalt  }
0x6e: {  	_ =	shalt  }
0x6f: {  	_ =	shalt  }
0x70: {  	_ =	shalt  }
0x71: {  	_ =	shalt  }
0x72: {  	_ =	shalt  }
0x73: {  	_ =	shalt  }
0x74: {  	_ =	shalt  }
0x75: {  	_ =	shalt  }
0x76: {  	_ =	shalt  }
0x77: {  	_ =	shalt  }
0x78: {  	_ =	shalt  }
0x79: {  	_ =	shalt  }
0x7a: {  	_ =	shalt  }
0x7b: {  	_ =	shalt  }
0x7c: {  	_ =	shalt  }
0x7d: {  	_ =	shalt  }
0x7e: {  	_ =	shalt  }
0x7f: {  	_ =	shalt  }
0x80: {  	_ =	shalt  }
0x81: {  	_ =	shalt  }
0x82: {  	_ =	shalt  }
0x83: {  	_ =	shalt  }
0x84: {  	_ =	shalt  }
0x85: {  	_ =	shalt  }
0x86: {  	_ =	shalt  }
0x87: {  	_ =	shalt  }
.Lfunc_end0:
.L_simem_size_0:
called_computation.1_lowered:
.L_overlay_start_0:
0x88: {  	s2 =	sld [smem:$0x3FD9]  }
0x89: {  	s3 =	sld [smem:$0x3FFE];
	_ =	sdelay $0x1  }
0x8a: {  	s1 =	srdreg.scid  }
0x8b: {  	s0 =	sand.u32 $0x1, s1  }
0x8c: {  	s17 =	sshll.u32 s0, $0xA;
	s2 =	sadd.s32 s3, s2  }
0x8d: {  	s2 =	sadd.s32 s2, s17  }
0x8e: {  	[smem:$0x3FC0] =	sst s2  }
0x8f: {  	_ = 	snop  }
0x90: {  	(tm) =	ssettm $0x1  }
0x91: {  	s18 =	sld [smem:$0x3FFB];
	_ =	sdelay $0x3  }
0x92: {  	_ =	strace s18  }
0x93: {  	s2 =	sld [smem:$0x3FFC];
	_ =	sdelay $0x3  }
0x94: {  	_ =	strace s2  }
0x95: {  	s2 =	sld [smem:$0x3FFD];
	_ =	sdelay $0x3  }
0x96: {  	_ =	strace s2  }
0x97: {  	_ =	strace $0x8FFFFFFF  }
0x98: {  	s19 =	sld [smem:$0x3FDB];
	_ =	sdelay $0x1  }
0x99: {  	s20 =	simm.s32 $_scs_section_size  }
0x9a: {  	s4 =	simm.s32 $_size__tile_overlayer_lowered;
	s5 =	simm.s32 $_tile_overlayer_lowered  }
0x9b: {  	s6 =	simm.s32 $0x1BFF;
	s21 =	sshll.u32 s5, $0x1;
	s3 =	sadd.s32 s20, s19  }
0x9c: {  	s22 =	simm.s32 $0x0;
	s4 =	sshll.u32 s4, $0x1;
	s5 =	sadd.s32 s21, s3  }
0x9d: {  	[timem:s22], [sflag:s6] =	dma.local [hbm:s5], s4  }
0x9e: {  	_ =	swait.ge [sflag:s6], s4  }
0x9f: {  	s4 =	ssub.s32 $0x0, s4;
	[sflag:s6] =	ssyncset.done $0x0  }
0xa0: {  	[sflag:s6] =	ssyncadd.s32 s4;
	_ =	sdelay $0x1  }
0xa1: {  	s23 =	simm.s32 $0x1B8B  }
0xa2: {  	_ =	swait.ge [sflag:s23], $0x1  }
0xa3: {  	[sflag:s23] =	ssyncset.done $0x0  }
0xa4: {  	[sflag:s23] =	ssyncadd.s32 $0xFFFFFFFF  }
0xa5: {  	s4 =	sld [smem:$0x0]  }
0xa6: {  	s5 =	sand.u32 $0xFFFFFFFE, s1  }
0xa7: {  	p0 =	sne.s32 s1, s5  }
0xa8: {  	s5 =	sshll.u32 @p0 s5, $0xE  }
0xa9: {  	s5 =	sadd.s32 @p0 $0x11B8D, s5;
	s6 =	sshll.u32 @p0 s4, $0x11  }
0xaa: {  	s5 =	sor.u32 @p0 s6, s5  }
0xab: {  	[sflag:s5] =	ssyncadd.remote.s32 @p0 $0x1;
	_ =	sdelay $0x1  }
0xac: {  	s5 =	simm.s32 @p0 $0x1B8D  }
0xad: {  	_ =	swait.eq @p0 [sflag:s5], $0x1  }
0xae: {  	[sflag:s5] =	ssyncadd.s32 @p0 $0xFFFFFFFF  }
0xaf: {  	s6 =	sshll.u32 @!p0 s1, $0xE  }
0xb0: {  	s6 =	sor.u32 @!p0 $0x4000, s6;
	s5 =	simm.s32 @!p0 $0x1B8D  }
0xb1: {  	s4 =	sshll.u32 @!p0 s4, $0x11;
	s6 =	sadd.s32 @!p0 $0x11B8D, s6;
	_ =	swait.eq @!p0 [sflag:s5], $0x1  }
0xb2: {  	s4 =	sor.u32 @!p0 s4, s6;
	[sflag:s5] =	ssyncadd.s32 @!p0 $0xFFFFFFFF  }
0xb3: {  	s25 =	simm.s32 $0x1B8E;
	s24 =	sld [smem:$0x3FFE];
	[sflag:s4] =	ssyncadd.remote.s32 @!p0 $0x1  }
0xb4: {  	s26 =	simm.s32 $execute0_lowered;
	[smem:$0x3FD2] =	sst s25  }
0xb5: {  	s5 =	sshll.u32 s26, $0x1;
	_ =	strace $0x80000049;
	[dreg:$0x1] =	wrdreg $0xFFFFFFFF  }
0xb6: {  	s28 =	simm.s32 $_size_execute0_lowered;
	s3 =	sadd.s32 s3, s5;
	[dreg:$0x0] =	wrdreg $0x0  }
0xb7: {  	s5 =	sshll.u32 s28, $0x1;
	[dreg:$0x2] =	wrdreg s3  }
0xb8: {  	[dreg:$0x3] =	wrdreg s5  }
0xb9: {  	[dreg:$0x4] =	wrdreg $0xC0  }
0xba: {  	_ =	task [dreg:s22], $0x5FFFF  }
0xbb: {  	[dreg:$0x1] =	wrdreg $0xFFFFFFFF  }
0xbc: {  	[dreg:$0x0] =	wrdreg $0x60  }
0xbd: {  	[dreg:$0x2] =	wrdreg s24  }
0xbe: {  	[dreg:$0x3] =	wrdreg $0xA  }
0xbf: {  	_ =	task.clear_ibuf [dreg:s22], $0x4FFFF;
	_ =	strace $0x90000049  }
0xc0: {  	s29 =	simm.s32 $0xA;
	_ =	strace $0x8000004B  }
0xc1: {  	_ =	swait.ge [sflag:s29], $0x1  }
0xc2: {  	[sflag:s29] =	ssyncadd.s32 $0xFFFFFFFF  }
0xc3: {  	_ =	strace $0x9000004B  }
0xc4: {  	_ =	sfence  }
0xc5: {  	s30 =	sld [smem:$0x0];
	_ =	sdelay $0x2  }
0xc6: {  	s31 =	sshll.u32 s1, $0xD;
	s1 =	sshrl.u32 s1, $0x2  }
0xc7: {  	s4 =	sand.u32 $0x4000, s31;
	s1 =	sadd.s32 s1, s30  }
0xc8: {  	s0 =	sor.u32 s4, s0;
	s1 =	sshll.u32 s1, $0x11  }
0xc9: {  	s0 =	sor.u32 s1, s0  }
0xca: {  	s0 =	sadd.s32 $0x8F2B, s0  }
0xcb: {  	[sflag:s0] =	ssyncadd.remote.s32 $0x1  }
0xcc: {  	_ =	sfence.sel $0xFFFF  }
0xcd: {  	[dreg:$0x0] =	wrdreg $0xFFFFFFFF;
	(pc) =	sbr.abs _section_cstart, $3  }
0xce: {  	[dreg:$0x1] =	wrdreg $0xFFFFFFFF  }
0xcf: {  	_ =	task.clear_ibuf [dreg:s22], $0x2FFFF;
	_ =	strace $0x9FFFFFFF  }
0xd0: {  	(tm) =	ssettm $0x7FFFFFFF  }
0xd1: {  	_ =	shalt  }
tec
execute0_lowered:
.L_overlay_start_1:
0x0: {  	(tag) =	ssettag $0x1  }
0x1: {  	s1 =	srdreg.scid  }
0x2: {  	s0 =	stileid.u32;
	s6 =	rddreg [dreg:$0x0];
	s2 =	simm.s32 $0x0  }
0x3: {  	s15 =	simm.s32 $0x2700;
	s16 =	simm.s32 $0x1A80;
	s17 =	simm.s32 $0x3380  }
0x4: {  	s18 =	simm.s32 $0x1;
	s19 =	simm.s32 $0x3;
	s20 =	simm.s32 $0x40  }
0x5: {  	s21 =	simm.s32 $0x80;
	s22 =	simm.s32 $0x2;
	s23 =	simm.s32 $0x4  }
0x6: {  	s24 =	simm.s32 $0xDC8;
	s9 =	sand.u32 $0x1, s1;
	s1 =	rddreg [dreg:$0x1]  }
0x7: {  	s25 =	simm.s32 $0x0;
	s3 =	sshll.u32 s0, $0x1;
	[smem:$0x7FF] =	sst s2  }
0x8: {  	s4 =	sadd.s32 $0x4E00, s6;
	s11 =	sadd.s32 $0x31F200, s6;
	s13 =	smul.u32 $0x19000, s0  }
0x9: {  	s30 =	sadd.s32 $0x31F208, s6;
	s5 =	sor.u32 s9, s3;
	s14 =	smul.u32 $0xC800, s9  }
0xa: {  	_ =	strace $0x8000004A;
	s8 =	ssub.s32 $0x2, s9;
	s7 =	smul.u32 $0x1C0, s5  }
0xb: {  	s3 =	sadd.s32 $0xC8400, s6;
	s10 =	smul.u32 $0xC800, s5;
	s12 =	sshrl.u32 s8, $0x1  }
0xc: {  	s29 =	ssub.s32 s8, s12;
	s12 =	simm.s32 $0x5;
	s7 =	sadd.s32 s7, s6  }
0xd: {  	s31 =	sadd.s32 $0xC1C0, s10;
	s6 =	smax.u32 s29, $0x1;
	s10 =	sadd.s32 $0xC4E0, s10  }
0xe: {  	s5 =	sadd.s32 $0x31BA00, s7;
	s7 =	sadd.s32 s11, s31;
	s8 =	sadd.s32 s31, s30  }
0xf: {  	s9 =	sadd.s32 s11, s10;
	s10 =	sadd.s32 s10, s30;
	s11 =	sadd.s32 s13, s11  }
0x10: {  	s13 =	simm.s32 $0x32;
	s11 =	sadd.s32 s14, s11;
	s14 =	simm.s32 $0xE00  }
.LBB2_1:
0x11: {  	[tilespmem:s2], [sflag:$0x5] =	stream.linear.gather [hbm4b:s5+s2], $0xE00, $0x38;
	[tilespmem:$0x4000] =	vst v63  }
0x12: {  	_ =	swait.ge [sflag:s12], $0xE00  }
0x13: {  	[sflag:s12] =	ssyncset.done $0x0  }
0x14: {  	[sflag:s12] =	ssyncadd.s32 $0xFFFFF200  }
0x15: {  	[tilespmem:s14], [sflag:$0x1] =	stream.indirect.gather [hbm4b:s3+s13], $0x40, s2, s13, $0xb8;
	[tilespmem:$0x4000] =	vst v63  }
0x16: {  	_ = 	snop  }
0x17: {  	[tilespmem:s15], [sflag:$0x3] =	stream.indirect.gather [hbm4b:s4+s13], $0x40, s2, s13, $0xb8;
	[tilespmem:$0x4000] =	vst v63  }
0x18: {  	s26 =	simm.s32 $0x38  }
0x19: {  	[tilespmem:s16], [sflag:$0x2] =	stream.indirect.gather [hbm4b:s3+s13], $0x40, s26, s13, $0xb8;
	[tilespmem:$0x4000] =	vst v63  }
0x1a: {  	_ = 	snop  }
0x1b: {  	[tilespmem:s17], [sflag:$0x4] =	stream.indirect.gather [hbm4b:s4+s13], $0x40, s26, s13, $0xb8;
	[tilespmem:$0x4000] =	vst v63  }
0x1c: {  	_ =	swait.ge [sflag:s18], $0xC80  }
0x1d: {  	[sflag:s18] =	ssyncset.done $0x0  }
0x1e: {  	[sflag:s18] =	ssyncadd.s32 $0xFFFFF380  }
0x1f: {  	_ =	swait.ge [sflag:s19], $0xC80  }
0x20: {  	[sflag:s19] =	ssyncset.done $0x0  }
0x21: {  	s28 =	sadd.s32 $0x0, s11;
	[sflag:s19] =	ssyncadd.s32 $0xFFFFF380  }
0x22: {  	[hbm4b:s28+s20] =	stream.strided.scatter [tilespmem:s14], [sflag:$0x5], $0xC80, s21, s20, $0x38;
	[tilespmem:$0x4000] =	vst v63  }
0x23: {  	_ =	swait.ge [sflag:s12], $0xC80  }
0x24: {  	[sflag:s12] =	ssyncset.done $0x0  }
0x25: {  	s29 =	sadd.s32 $0x8, s28;
	[sflag:s12] =	ssyncadd.s32 $0xFFFFF380  }
0x26: {  	[hbm4b:s29+s20] =	stream.strided.scatter [tilespmem:s15], [sflag:$0x5], $0xC80, s21, s20, $0x38;
	[tilespmem:$0x4000] =	vst v63  }
0x27: {  	_ =	swait.ge [sflag:s12], $0xC80  }
0x28: {  	[sflag:s12] =	ssyncset.done $0x0  }
0x29: {  	s30 =	simm.s32 $0x70;
	[sflag:s12] =	ssyncadd.s32 $0xFFFFF380  }
0x2a: {  	[tilespmem:s14], [sflag:$0x1] =	stream.indirect.gather [hbm4b:s3+s13], $0x40, s30, s13, $0xb8;
	[tilespmem:$0x4000] =	vst v63  }
0x2b: {  	_ = 	snop  }
0x2c: {  	[tilespmem:s15], [sflag:$0x3] =	stream.indirect.gather [hbm4b:s4+s13], $0x40, s30, s13, $0xb8;
	[tilespmem:$0x4000] =	vst v63  }
0x2d: {  	_ =	swait.ge [sflag:s22], $0xC80  }
0x2e: {  	[sflag:s22] =	ssyncset.done $0x0  }
0x2f: {  	[sflag:s22] =	ssyncadd.s32 $0xFFFFF380  }
0x30: {  	_ =	swait.ge [sflag:s23], $0xC80  }
0x31: {  	[sflag:s23] =	ssyncset.done $0x0  }
0x32: {  	s31 =	sadd.s32 $0x320, s28;
	[sflag:s23] =	ssyncadd.s32 $0xFFFFF380  }
0x33: {  	[hbm4b:s31+s20] =	stream.strided.scatter [tilespmem:s16], [sflag:$0x5], $0xC80, s21, s20, $0x38;
	[tilespmem:$0x4000] =	vst v63  }
0x34: {  	_ =	swait.ge [sflag:s12], $0xC80  }
0x35: {  	[sflag:s12] =	ssyncset.done $0x0  }
0x36: {  	s28 =	sadd.s32 $0x328, s28;
	[sflag:s12] =	ssyncadd.s32 $0xFFFFF380  }
0x37: {  	[hbm4b:s28+s20] =	stream.strided.scatter [tilespmem:s17], [sflag:$0x5], $0xC80, s21, s20, $0x38;
	[tilespmem:$0x4000] =	vst v63  }
0x38: {  	_ =	swait.ge [sflag:s12], $0xC80  }
0x39: {  	s28 =	simm.s32 $0x640;
	[sflag:s12] =	ssyncset.done $0x0  }
.LBB2_2:
0x3a: {  	p0 =	sne.s32 s28, $0xBB80;
	[sflag:s12] =	ssyncadd.s32 $0xFFFFF380;
	s26 =	sadd.s32 $0x70, s26  }
0x3b: {  	[tilespmem:s16], [sflag:$0x2] =	stream.indirect.gather [hbm4b:s3+s13], $0x40, s26, s13, $0xb8;
	[tilespmem:$0x4000] =	vst v63  }
0x3c: {  	s29 =	smov.u32 s28;
	s28 =	sadd.s32 $0x640, s28  }
0x3d: {  	[tilespmem:s17], [sflag:$0x4] =	stream.indirect.gather [hbm4b:s4+s13], $0x40, s26, s13, $0xb8;
	[tilespmem:$0x4000] =	vst v63  }
0x3e: {  	_ =	swait.ge [sflag:s18], $0xC80  }
0x3f: {  	[sflag:s18] =	ssyncset.done $0x0  }
0x40: {  	[sflag:s18] =	ssyncadd.s32 $0xFFFFF380  }
0x41: {  	_ =	swait.ge [sflag:s19], $0xC80  }
0x42: {  	[sflag:s19] =	ssyncset.done $0x0  }
0x43: {  	s29 =	sadd.s32 s29, s11;
	[sflag:s19] =	ssyncadd.s32 $0xFFFFF380  }
0x44: {  	[hbm4b:s29+s20] =	stream.strided.scatter [tilespmem:s14], [sflag:$0x5], $0xC80, s21, s20, $0x38;
	[tilespmem:$0x4000] =	vst v63  }
0x45: {  	_ =	swait.ge [sflag:s12], $0xC80  }
0x46: {  	[sflag:s12] =	ssyncset.done $0x0  }
0x47: {  	s30 =	sadd.s32 $0x8, s29;
	[sflag:s12] =	ssyncadd.s32 $0xFFFFF380  }
0x48: {  	[hbm4b:s30+s20] =	stream.strided.scatter [tilespmem:s15], [sflag:$0x5], $0xC80, s21, s20, $0x38;
	[tilespmem:$0x4000] =	vst v63  }
0x49: {  	_ =	swait.ge [sflag:s12], $0xC80  }
0x4a: {  	[sflag:s12] =	ssyncset.done $0x0  }
0x4b: {  	s30 =	sadd.s32 $0x38, s26;
	[sflag:s12] =	ssyncadd.s32 $0xFFFFF380  }
0x4c: {  	[tilespmem:s14], [sflag:$0x1] =	stream.indirect.gather [hbm4b:s3+s13], $0x40, s30, s13, $0xb8;
	[tilespmem:$0x4000] =	vst v63  }
0x4d: {  	_ = 	snop  }
0x4e: {  	[tilespmem:s15], [sflag:$0x3] =	stream.indirect.gather [hbm4b:s4+s13], $0x40, s30, s13, $0xb8;
	[tilespmem:$0x4000] =	vst v63  }
0x4f: {  	_ =	swait.ge [sflag:s22], $0xC80  }
0x50: {  	[sflag:s22] =	ssyncset.done $0x0  }
0x51: {  	[sflag:s22] =	ssyncadd.s32 $0xFFFFF380  }
0x52: {  	_ =	swait.ge [sflag:s23], $0xC80  }
0x53: {  	[sflag:s23] =	ssyncset.done $0x0  }
0x54: {  	s30 =	sadd.s32 $0x320, s29;
	[sflag:s23] =	ssyncadd.s32 $0xFFFFF380  }
0x55: {  	[hbm4b:s30+s20] =	stream.strided.scatter [tilespmem:s16], [sflag:$0x5], $0xC80, s21, s20, $0x38;
	[tilespmem:$0x4000] =	vst v63  }
0x56: {  	_ =	swait.ge [sflag:s12], $0xC80  }
.Ltmp0:
0x57: {  	[sflag:s12] =	ssyncset.done $0x0;
	(pc) =	sbr.rel @p0 .LBB2_2-.Ltmp0, $4  }
0x58: {  	s29 =	sadd.s32 $0x328, s29;
	[sflag:s12] =	ssyncadd.s32 $0xFFFFF380  }
0x59: {  	[hbm4b:s29+s20] =	stream.strided.scatter [tilespmem:s17], [sflag:$0x5], $0xC80, s21, s20, $0x38;
	[tilespmem:$0x4000] =	vst v63  }
0x5a: {  	_ =	swait.ge [sflag:s12], $0xC80  }
0x5b: {  	[sflag:s12] =	ssyncset.done $0x0  }
0x5c: {  	[sflag:s12] =	ssyncadd.s32 $0xFFFFF380  }
0x5d: {  	[tilespmem:s16], [sflag:$0x2] =	stream.indirect.gather [hbm4b:s3+s13], $0x40, s24, s13, $0xb8;
	[tilespmem:$0x4000] =	vst v63  }
0x5e: {  	_ = 	snop  }
0x5f: {  	[tilespmem:s17], [sflag:$0x4] =	stream.indirect.gather [hbm4b:s4+s13], $0x40, s24, s13, $0xb8;
	[tilespmem:$0x4000] =	vst v63  }
0x60: {  	_ =	swait.ge [sflag:s18], $0xC80  }
0x61: {  	[sflag:s18] =	ssyncset.done $0x0  }
0x62: {  	[sflag:s18] =	ssyncadd.s32 $0xFFFFF380  }
0x63: {  	_ =	swait.ge [sflag:s19], $0xC80  }
0x64: {  	[sflag:s19] =	ssyncset.done $0x0  }
0x65: {  	[sflag:s19] =	ssyncadd.s32 $0xFFFFF380  }
0x66: {  	[hbm4b:s7+s20] =	stream.strided.scatter [tilespmem:s14], [sflag:$0x5], $0xC80, s21, s20, $0x38;
	[tilespmem:$0x4000] =	vst v63  }
0x67: {  	_ =	swait.ge [sflag:s12], $0xC80  }
0x68: {  	[sflag:s12] =	ssyncset.done $0x0  }
0x69: {  	[sflag:s12] =	ssyncadd.s32 $0xFFFFF380  }
0x6a: {  	[hbm4b:s8+s20] =	stream.strided.scatter [tilespmem:s15], [sflag:$0x5], $0xC80, s21, s20, $0x38;
	[tilespmem:$0x4000] =	vst v63  }
0x6b: {  	_ =	swait.ge [sflag:s12], $0xC80  }
0x6c: {  	[sflag:s12] =	ssyncset.done $0x0  }
0x6d: {  	[sflag:s12] =	ssyncadd.s32 $0xFFFFF380  }
0x6e: {  	_ =	swait.ge [sflag:s22], $0xC80  }
0x6f: {  	[sflag:s22] =	ssyncset.done $0x0  }
0x70: {  	[sflag:s22] =	ssyncadd.s32 $0xFFFFF380  }
0x71: {  	_ =	swait.ge [sflag:s23], $0xC80  }
0x72: {  	[sflag:s23] =	ssyncset.done $0x0  }
0x73: {  	[sflag:s23] =	ssyncadd.s32 $0xFFFFF380  }
0x74: {  	[hbm4b:s9+s20] =	stream.strided.scatter [tilespmem:s16], [sflag:$0x5], $0xC80, s21, s20, $0x38;
	[tilespmem:$0x4000] =	vst v63  }
0x75: {  	s25 =	sadd.s32 $0x1, s25;
	_ =	swait.ge [sflag:s12], $0xC80  }
0x76: {  	p0 =	sne.s32 s25, s6;
	[sflag:s12] =	ssyncset.done $0x0  }
.Ltmp1:
0x77: {  	[sflag:s12] =	ssyncadd.s32 $0xFFFFF380;
	(pc) =	sbr.rel @p0 .LBB2_1-.Ltmp1, $4  }
0x78: {  	[hbm4b:s10+s20] =	stream.strided.scatter [tilespmem:s17], [sflag:$0x5], $0xC80, s21, s20, $0x38;
	[tilespmem:$0x4000] =	vst v63  }
0x79: {  	_ =	swait.ge [sflag:s12], $0xC80  }
0x7a: {  	[sflag:s12] =	ssyncset.done $0x0  }
0x7b: {  	[sflag:s12] =	ssyncadd.s32 $0xFFFFF380  }
0x7c: {  	_ =	sfence.sel $0x180000  }
0x7d: {  	[bflag:$0x0] =	sbarrier.arrive $0xFFFF  }
0x7e: {  	p0 =	sne.s32 s0, $0x0;
	_ =	strace $0x9000004A  }
0x7f: {  	s0 =	sadd.s32 @!p0 $0x100000, s1;
	[bflag:$0x2] =	sbarrier.arrive $0xFFFF  }
0x80: {  	[sflag:s0] =	ssyncadd.tile.s32 @!p0 $0x1;
	_ =	shalt  }
.Lfunc_end2:
_tile_overlayer_lowered:
.L_overlay_start_2:
0x81: {  	(tag) =	ssettag $0x2  }
0x82: {  	s0 =	rddreg [dreg:$0x0];
	s2 =	stileid.u32  }
0x83: {  	s1 =	rddreg [dreg:$0x1];
	p0 =	sne.s32 s2, $0x0  }
0x84: {  	s3 =	rddreg [dreg:$0x2];
	[bflag:$0x3] =	sbarrier.arrive $0xFFFF;
	s2 =	simm.s32 @!p0 $0x1C05  }
0x85: {  	[timem:s3], [sflag:s2] =	dma.local @!p0 [hbm:s0], s1  }
0x86: {  	s0 =	simm.s32 @!p0 $0x5  }
0x87: {  	_ =	swait.ge @!p0 [sflag:s0], s1  }
0x88: {  	s1 =	ssub.s32 @!p0 $0x0, s1;
	[sflag:s0] =	ssyncset.done @!p0 $0x0  }
0x89: {  	[sflag:s0] =	ssyncadd.s32 @!p0 s1  }
0x8a: {  	[bflag:$0x3] =	sbarrier.arrive $0xFFFF  }
0x8b: {  	_ =	shalt  }

</sc_bundles>
